<compile_context>
chip_gen: v7x
topology: tpu7x:2x2x1
jax: 0.10.2.dev20260603
libtpu: 0.0.44.dev20260713+nightly
codegen_flags: <defaults>
</compile_context>

<pallas_src>
import functools

import jax
import jax.numpy as jnp
import numpy as np
from jax import lax
from jax.experimental import pallas as pl
from jax.experimental.pallas import tpu as pltpu
from jax.experimental.pallas import tpu_sc as plsc

_LEVELS = np.array([8, 8, 8, 5, 5, 5], dtype=np.float64)
_BASIS = np.array([1, 8, 64, 512, 2560, 12800], dtype=np.float64)
_CODEBOOK = 64000
_K = 6
_KP = 8

_EPS = 1e-3
_HALF_L = (_LEVELS - 1.0) * (1.0 - _EPS) / 2.0
_OFFSET = np.where(_LEVELS % 2 == 0, 0.5, 0.0)
_SHIFT = np.tan(_OFFSET / _HALF_L)
_HALF_W = np.floor(_LEVELS / 2.0)
_IDX_OFF = float(np.sum(_HALF_W * _BASIS))

_CONSTS = np.zeros((_KP, 128), dtype=np.float32)
_CONSTS[:_K, 0] = _SHIFT
_CONSTS[:_K, 1] = _HALF_L
_CONSTS[:_K, 2] = _OFFSET
_CONSTS[:_K, 3] = _BASIS * _HALF_W
_CONSTS[:_K, 4] = 1.0 / _HALF_W


_KQ = 7


def _tc_quant_body(z_ref, c_ref, win_ref, bin_ref, q_ref, idx_ref):
    zb = z_ref[...]
    zpT = lax.dot_general(
        win_ref[...], zb, (((1,), (1,)), ((), ())),
        preferred_element_type=jnp.float32)
    shift = c_ref[:_K, 0:1]
    halfl = c_ref[:_K, 1:2]
    off = c_ref[:_K, 2:3]
    basis_hw = c_ref[:_K, 3:4]
    inv_hw = c_ref[:_K, 4:5]
    row = lax.broadcasted_iota(jnp.int32, (_K, 1), 0)
    binp = bin_ref[0] + jnp.zeros((_K, 1), jnp.float32)
    for j in range(1, _K):
        binp = jnp.where(row == j, bin_ref[j], binp)
    y = jnp.tanh(zpT + (binp + shift))
    q = jnp.round(y * halfl - off)
    qs = q * inv_hw
    r = zb.shape[0]
    q_ref[...] = jnp.concatenate([qs, jnp.ones((1, r), jnp.float32)], axis=0)
    idxi = (jnp.sum(qs * basis_hw, axis=0, keepdims=True) + _IDX_OFF
            ).astype(jnp.int32)
    idx_ref[...] = idxi.reshape(idx_ref.shape[0], 128)


def _tc_quant(zf, win, b_in, grid_g):
    nt, d = zf.shape
    r = nt // grid_g
    rows = r // 128
    return pl.pallas_call(
        _tc_quant_body,
        grid=(grid_g,),
        in_specs=[
            pl.BlockSpec((r, d), lambda i: (i, 0)),
            pl.BlockSpec((_KP, 128), lambda i: (0, 0)),
            pl.BlockSpec((_K, d), lambda i: (0, 0)),
            pl.BlockSpec(memory_space=pltpu.SMEM),
        ],
        out_specs=[
            pl.BlockSpec((_KQ, r), lambda i: (0, i)),
            pl.BlockSpec((rows, 128), lambda i: (i, 0)),
        ],
        out_shape=[
            jax.ShapeDtypeStruct((_KQ, nt), jnp.float32),
            jax.ShapeDtypeStruct((nt // 128, 128), jnp.int32),
        ],
    )(zf, jnp.asarray(_CONSTS), win, b_in)


def _tc_out_body(q_ref, wout_ref, out_ref):
    out_ref[...] = lax.dot_general(
        q_ref[...], wout_ref[...], (((0,), (0,)), ((), ())),
        preferred_element_type=jnp.float32)


def _tc_out(qT, woutT, grid_g):
    d = woutT.shape[1]
    nt = qT.shape[1]
    r = nt // grid_g
    return pl.pallas_call(
        _tc_out_body,
        grid=(grid_g,),
        in_specs=[
            pl.BlockSpec((_KQ, r), lambda i: (0, i)),
            pl.BlockSpec((_KQ, d), lambda i: (0, 0)),
        ],
        out_specs=pl.BlockSpec((r, d), lambda i: (i, 0)),
        out_shape=jax.ShapeDtypeStruct((nt, d), jnp.float32),
    )(qT, woutT)


_NSUB = 16
_CHUNK = _CODEBOOK // _NSUB
_IDX_ROWS = 8


@functools.cache
def _make_sc_update():
    return pl.kernel(
        _sc_update_body,
        mesh=plsc.VectorSubcoreMesh(core_axis_name="c", subcore_axis_name="s"),
        out_type=(
            jax.ShapeDtypeStruct((_CODEBOOK,), jnp.float32),
            jax.ShapeDtypeStruct((_CODEBOOK,), jnp.float32),
        ),
        scratch_types=[
            pltpu.VMEM((_IDX_ROWS, 128), jnp.int32),
            pltpu.VMEM((128,), jnp.float32),
            pltpu.VMEM((_CHUNK,), jnp.float32),
            pltpu.VMEM_SHARED((_CODEBOOK,), jnp.float32),
        ],
    )


def _sc_update_body(idx_hbm, age_hbm, usage_out, age_out, idx_v, val_v, buf_v, acc_sh):
    c = lax.axis_index("c")
    s = lax.axis_index("s")
    base = s * _CHUNK

    pltpu.sync_copy(idx_hbm.at[pl.ds(s * _IDX_ROWS, _IDX_ROWS)], idx_v)

    fill = jnp.where(c == 0, 1.0, 0.0).astype(jnp.float32)
    for k in range(128 // 16):
        val_v[pl.ds(k * 16, 16)] = jnp.full((16,), fill, jnp.float32)

    @pl.when(c == 0)
    def _():
        def zbody(j, carry):
            buf_v[pl.ds(j * 16, 16)] = jnp.zeros((16,), jnp.float32)
            return carry
        lax.fori_loop(0, _CHUNK // 16, zbody, 0)

    @pl.when(c != 0)
    def _():
        pltpu.sync_copy(age_hbm.at[pl.ds(base, _CHUNK)], buf_v)

        def abody(j, carry):
            sl = pl.ds(j * 16, 16)
            buf_v[sl] = buf_v[sl] + 1.0
            return carry
        lax.fori_loop(0, _CHUNK // 16, abody, 0)

    pltpu.sync_copy(buf_v, acc_sh.at[pl.ds(base, _CHUNK)])
    plsc.subcore_barrier()

    @pl.when(c == 0)
    def _():
        for j in range(_IDX_ROWS):
            pltpu.sync_copy(val_v, acc_sh.at[idx_v.at[j]], add=True)

    @pl.when(c != 0)
    def _():
        for j in range(_IDX_ROWS):
            pltpu.sync_copy(val_v, acc_sh.at[idx_v.at[j]])

    plsc.subcore_barrier()

    pltpu.sync_copy(acc_sh.at[pl.ds(base, _CHUNK)], buf_v)

    @pl.when(c == 0)
    def _():
        pltpu.sync_copy(buf_v, usage_out.at[pl.ds(base, _CHUNK)])

    @pl.when(c != 0)
    def _():
        pltpu.sync_copy(buf_v, age_out.at[pl.ds(base, _CHUNK)])


def kernel(z, code_age, code_usage, W_in, b_in, W_out, b_out):
    b, n, d = z.shape
    zf = z.reshape(b * n, d)

    qT, idx2 = _tc_quant(zf, W_in, b_in, grid_g=8)

    usage_new, age_new = _make_sc_update()(idx2, code_age)

    woutT = jnp.concatenate([W_out.T, b_out[None, :]], axis=0)
    out_f = _tc_out(qT, woutT, grid_g=8)

    out = out_f.reshape(b, n, d)
    indices_out = idx2.reshape(b, n)
    loss = jnp.zeros((), jnp.float32)
    return (out, loss, indices_out, age_new, usage_new)

# --- scband reference (transcript-rebuilt; emitter-appended) ---
"""Pipeline reference for scband-fsq-13941463843144 (READ-ONLY COPY).

The authoritative reference and input builder live on the scoring server;
editing this copy changes nothing except your own understanding.
"""

import jax, jax.numpy as jnp
import numpy as np

LEVELS = jnp.array([8, 8, 8, 5, 5, 5], dtype=jnp.int32)
BASIS = jnp.array([1, 8, 64, 512, 2560, 12800], dtype=jnp.int32)
CODEBOOK_SIZE = 64000
DIM = 768
CODE_DIM = 6


def setup_inputs(seed: int = 0) -> dict:
    key = jax.random.key(seed)
    k1, k2, k3 = jax.random.split(key, 3)
    z = jax.random.normal(k1, (16, 1024, DIM), dtype=jnp.float32)
    code_age = jnp.zeros((CODEBOOK_SIZE,), dtype=jnp.float32)
    code_usage = jnp.zeros((CODEBOOK_SIZE,), dtype=jnp.float32)
    W_in = jax.random.normal(k2, (CODE_DIM, DIM), dtype=jnp.float32) * (1.0 / np.sqrt(DIM))
    b_in = jnp.zeros((CODE_DIM,), dtype=jnp.float32)
    W_out = jax.random.normal(k3, (DIM, CODE_DIM), dtype=jnp.float32) * (1.0 / np.sqrt(CODE_DIM))
    b_out = jnp.zeros((DIM,), dtype=jnp.float32)
    return {"z": z, "code_age": code_age, "code_usage": code_usage,
            "W_in": W_in, "b_in": b_in, "W_out": W_out, "b_out": b_out}


def _bound(z, eps=1e-3):
    levels_f = LEVELS.astype(jnp.float32)
    half_l = (levels_f - 1.0) * (1.0 - eps) / 2.0
    offset = jnp.where(LEVELS % 2 == 0, 0.5, 0.0)
    shift = jnp.tan(offset / half_l)
    return jnp.tanh(z + shift) * half_l - offset


def _round_ste(z):
    return z + jax.lax.stop_gradient(jnp.round(z) - z)


def _quantize(z):
    quantized = _round_ste(_bound(z))
    half_width = (LEVELS // 2).astype(jnp.float32)
    return quantized / half_width


def _codes_to_indices(zhat):
    half_width = (LEVELS // 2).astype(jnp.float32)
    scaled = zhat * half_width + half_width
    return jnp.sum(scaled * BASIS.astype(jnp.float32), axis=-1).astype(jnp.int32)


def reference(z, code_age, code_usage, W_in, b_in, W_out, b_out):
    b, n, _ = z.shape
    # project_in: Linear(dim -> effective_codebook_dim)
    zp = z @ W_in.T + b_in                      # [b, n, 6]
    zp = zp.reshape(b, n, 1, CODE_DIM)          # b n c d, c=1
    codes = _quantize(zp)                       # [b, n, 1, 6]
    indices = _codes_to_indices(codes)          # [b, n, 1]
    flat_indices = indices.reshape(-1)
    code_usage_new = jnp.zeros_like(code_usage).at[flat_indices].add(
        jnp.ones_like(flat_indices, dtype=code_usage.dtype))
    code_age_new = (code_age + 1.0).at[flat_indices].set(0.0)
    codes_flat = codes.reshape(b, n, CODE_DIM)  # b n (c d)
    out = codes_flat @ W_out.T + b_out          # [b, n, 768]
    indices_out = indices.reshape(b, n)         # keep_num_codebooks_dim=False
    loss = jnp.array(0.0, dtype=jnp.float32)
    return (out, loss, indices_out, code_age_new, code_usage_new)

if __name__ == "__main__":
    import jax
    _d = setup_inputs()
    print(jax.jit(kernel)(*tuple(_d.values())))

</pallas_src>

<mosaic_0001>
#map = affine_map<(d0, d1) -> (0, 0)>
#map1 = affine_map<(d0, d1) -> (0)>
module attributes {stable_mosaic.version = 14 : i64} {
  func.func @_sc_update_body(%arg0: i32, %arg1: i32, %arg2: memref<128x128xi32, #tpu.memory_space<hbm>>, %arg3: memref<64000xf32, #tpu.memory_space<hbm>>, %arg4: memref<64000xf32, #tpu.memory_space<hbm>>, %arg5: memref<64000xf32, #tpu.memory_space<hbm>>, %arg6: memref<8x128xi32, #tpu.memory_space<vmem>>, %arg7: memref<128xf32, #tpu.memory_space<vmem>>, %arg8: memref<4000xf32, #tpu.memory_space<vmem>>, %arg9: memref<64000xf32, #tpu.memory_space<vmem_shared>>) attributes {dimension_semantics = [#tpu.dimension_semantics<core_parallel>, #tpu.dimension_semantics<subcore_parallel>], iteration_bounds = array<i64: 2, 16>, scalar_prefetch = 0 : i64, scratch_operands = 4 : i64, tpu.core_type = #tpu.core_type<sc_vector_subcore>, window_params = [{transform_indices = #map}, {transform_indices = #map1}, {transform_indices = #map1}, {transform_indices = #map1}]} {
    %mul3A = arith.constant 4000 : i32
    %mul3A_0 = arith.muli %arg1, %mul3A : i32
    %mul3A_1 = arith.constant 8 : i32
    %mul3A_2 = arith.muli %arg1, %mul3A_1 : i32
    "tpu.region"() ({
      %run_scoped3A = tpu.sem_alloc : memref<!tpu.dma_semaphore, #tpu.memory_space<semaphore_mem>>
      %dma_start3A = arith.constant 0 : i32
      %dma_start3A_71 = tpu.memref_slice %arg2[%mul3A_2, %dma_start3A] : memref<128x128xi32, #tpu.memory_space<hbm>> -> memref<8x128xi32, #tpu.memory_space<hbm>>
      %dma_start3A_72 = arith.constant 0 : i32
      %dma_start3A_73 = tpu.memref_slice %arg2[%mul3A_2, %dma_start3A_72] : memref<128x128xi32, #tpu.memory_space<hbm>> -> memref<8x128xi32, #tpu.memory_space<hbm>>
      tpu.enqueue_dma source(%dma_start3A_73 : memref<8x128xi32, #tpu.memory_space<hbm>>) target(%arg6 : memref<8x128xi32, #tpu.memory_space<vmem>>) target_semaphore(%run_scoped3A : memref<!tpu.dma_semaphore, #tpu.memory_space<semaphore_mem>>)
      %dma_wait3A = arith.constant 0 : i32
      %dma_wait3A_74 = tpu.memref_slice %arg2[%mul3A_2, %dma_wait3A] : memref<128x128xi32, #tpu.memory_space<hbm>> -> memref<8x128xi32, #tpu.memory_space<hbm>>
      %dma_wait3A_75 = arith.constant 0 : i32
      %dma_wait3A_76 = tpu.memref_slice %arg2[%mul3A_2, %dma_wait3A_75] : memref<128x128xi32, #tpu.memory_space<hbm>> -> memref<8x128xi32, #tpu.memory_space<hbm>>
      tpu.wait_dma2 semaphore(%run_scoped3A : memref<!tpu.dma_semaphore, #tpu.memory_space<semaphore_mem>>) src(%dma_wait3A_76 : memref<8x128xi32, #tpu.memory_space<hbm>>) dst(%arg6 : memref<8x128xi32, #tpu.memory_space<vmem>>)
      tpu.yield
    }) : () -> ()
    %eq3A = arith.constant 0 : i32
    %eq3A_3 = arith.cmpi eq, %arg0, %eq3A : i32
    %jit3A = arith.constant 1.000000e+00 : f32
    %jit3A_4 = arith.constant 0.000000e+00 : f32
    %select_n3A = arith.select %eq3A_3, %jit3A, %jit3A_4 : f32
    %broadcast_in_dim3A = vector.broadcast %select_n3A : f32 to vector<16xf32>
    %swap3A = arith.constant 0 : index
    %swap3A_5 = tpu.vector_load %arg7[%swap3A] {strides = array<i32>} : memref<128xf32, #tpu.memory_space<vmem>>, vector<16xf32>,
    %swap3A_6 = vector.shape_cast %swap3A_5 : vector<16xf32> to vector<16xf32>
    %swap3A_7 = vector.shape_cast %broadcast_in_dim3A : vector<16xf32> to vector<16xf32>
    tpu.vector_store %arg7[%swap3A], %swap3A_7 {strides = array<i32>} : memref<128xf32, #tpu.memory_space<vmem>>, vector<16xf32>,
    %broadcast_in_dim3A_8 = vector.broadcast %select_n3A : f32 to vector<16xf32>
    %swap3A_9 = arith.constant 16 : index
    %swap3A_10 = tpu.vector_load %arg7[%swap3A_9] {strides = array<i32>} : memref<128xf32, #tpu.memory_space<vmem>>, vector<16xf32>,
    %swap3A_11 = vector.shape_cast %swap3A_10 : vector<16xf32> to vector<16xf32>
    %swap3A_12 = vector.shape_cast %broadcast_in_dim3A_8 : vector<16xf32> to vector<16xf32>
    tpu.vector_store %arg7[%swap3A_9], %swap3A_12 {strides = array<i32>} : memref<128xf32, #tpu.memory_space<vmem>>, vector<16xf32>,
    %broadcast_in_dim3A_13 = vector.broadcast %select_n3A : f32 to vector<16xf32>
    %swap3A_14 = arith.constant 32 : index
    %swap3A_15 = tpu.vector_load %arg7[%swap3A_14] {strides = array<i32>} : memref<128xf32, #tpu.memory_space<vmem>>, vector<16xf32>,
    %swap3A_16 = vector.shape_cast %swap3A_15 : vector<16xf32> to vector<16xf32>
    %swap3A_17 = vector.shape_cast %broadcast_in_dim3A_13 : vector<16xf32> to vector<16xf32>
    tpu.vector_store %arg7[%swap3A_14], %swap3A_17 {strides = array<i32>} : memref<128xf32, #tpu.memory_space<vmem>>, vector<16xf32>,
    %broadcast_in_dim3A_18 = vector.broadcast %select_n3A : f32 to vector<16xf32>
    %swap3A_19 = arith.constant 48 : index
    %swap3A_20 = tpu.vector_load %arg7[%swap3A_19] {strides = array<i32>} : memref<128xf32, #tpu.memory_space<vmem>>, vector<16xf32>,
    %swap3A_21 = vector.shape_cast %swap3A_20 : vector<16xf32> to vector<16xf32>
    %swap3A_22 = vector.shape_cast %broadcast_in_dim3A_18 : vector<16xf32> to vector<16xf32>
    tpu.vector_store %arg7[%swap3A_19], %swap3A_22 {strides = array<i32>} : memref<128xf32, #tpu.memory_space<vmem>>, vector<16xf32>,
    %broadcast_in_dim3A_23 = vector.broadcast %select_n3A : f32 to vector<16xf32>
    %swap3A_24 = arith.constant 64 : index
    %swap3A_25 = tpu.vector_load %arg7[%swap3A_24] {strides = array<i32>} : memref<128xf32, #tpu.memory_space<vmem>>, vector<16xf32>,
    %swap3A_26 = vector.shape_cast %swap3A_25 : vector<16xf32> to vector<16xf32>
    %swap3A_27 = vector.shape_cast %broadcast_in_dim3A_23 : vector<16xf32> to vector<16xf32>
    tpu.vector_store %arg7[%swap3A_24], %swap3A_27 {strides = array<i32>} : memref<128xf32, #tpu.memory_space<vmem>>, vector<16xf32>,
    %broadcast_in_dim3A_28 = vector.broadcast %select_n3A : f32 to vector<16xf32>
    %swap3A_29 = arith.constant 80 : index
    %swap3A_30 = tpu.vector_load %arg7[%swap3A_29] {strides = array<i32>} : memref<128xf32, #tpu.memory_space<vmem>>, vector<16xf32>,
    %swap3A_31 = vector.shape_cast %swap3A_30 : vector<16xf32> to vector<16xf32>
    %swap3A_32 = vector.shape_cast %broadcast_in_dim3A_28 : vector<16xf32> to vector<16xf32>
    tpu.vector_store %arg7[%swap3A_29], %swap3A_32 {strides = array<i32>} : memref<128xf32, #tpu.memory_space<vmem>>, vector<16xf32>,
    %broadcast_in_dim3A_33 = vector.broadcast %select_n3A : f32 to vector<16xf32>
    %swap3A_34 = arith.constant 96 : index
    %swap3A_35 = tpu.vector_load %arg7[%swap3A_34] {strides = array<i32>} : memref<128xf32, #tpu.memory_space<vmem>>, vector<16xf32>,
    %swap3A_36 = vector.shape_cast %swap3A_35 : vector<16xf32> to vector<16xf32>
    %swap3A_37 = vector.shape_cast %broadcast_in_dim3A_33 : vector<16xf32> to vector<16xf32>
    tpu.vector_store %arg7[%swap3A_34], %swap3A_37 {strides = array<i32>} : memref<128xf32, #tpu.memory_space<vmem>>, vector<16xf32>,
    %broadcast_in_dim3A_38 = vector.broadcast %select_n3A : f32 to vector<16xf32>
    %swap3A_39 = arith.constant 112 : index
    %swap3A_40 = tpu.vector_load %arg7[%swap3A_39] {strides = array<i32>} : memref<128xf32, #tpu.memory_space<vmem>>, vector<16xf32>,
    %swap3A_41 = vector.shape_cast %swap3A_40 : vector<16xf32> to vector<16xf32>
    %swap3A_42 = vector.shape_cast %broadcast_in_dim3A_38 : vector<16xf32> to vector<16xf32>
    tpu.vector_store %arg7[%swap3A_39], %swap3A_42 {strides = array<i32>} : memref<128xf32, #tpu.memory_space<vmem>>, vector<16xf32>,
    %eq3A_43 = arith.constant 0 : i32
    %eq3A_44 = arith.cmpi eq, %arg0, %eq3A_43 : i32
    %convert_element_type3A = arith.extui %eq3A_44 : i1 to i32
    %cond3A = arith.constant 0 : i32
    %cond3A_45 = arith.cmpi ne, %convert_element_type3A, %cond3A : i32
    scf.if %cond3A_45 {
      %scan3A = arith.constant 0 : i32
      %scan3A_71 = arith.constant 0 : i32
      %scan3A_72 = arith.constant 250 : i32
      %scan3A_73 = arith.addi %scan3A_71, %scan3A_72 : i32
      %scan3A_74 = arith.constant 1 : i32
      scf.for %scan3A_76 = %scan3A_71 to %scan3A_73 step %scan3A_74  : i32 {
        %broadcast_in_dim3A_77 = arith.constant 0.000000e+00 : f32
        %broadcast_in_dim3A_78 = vector.broadcast %broadcast_in_dim3A_77 : f32 to vector<16xf32>
        %mul3A_79 = arith.constant 16 : i32
        %mul3A_80 = arith.muli %scan3A_76, %mul3A_79 : i32
        %swap3A_81 = arith.index_cast %mul3A_80 : i32 to index
        %swap3A_82 = tpu.vector_load %arg8[%swap3A_81] {strides = array<i32>} : memref<4000xf32, #tpu.memory_space<vmem>>, vector<16xf32>,
        %swap3A_83 = vector.shape_cast %swap3A_82 : vector<16xf32> to vector<16xf32>
        %swap3A_84 = vector.shape_cast %broadcast_in_dim3A_78 : vector<16xf32> to vector<16xf32>
        tpu.vector_store %arg8[%swap3A_81], %swap3A_84 {strides = array<i32>} : memref<4000xf32, #tpu.memory_space<vmem>>, vector<16xf32>,
      }
      %scan3A_75 = arith.constant 250 : i32
    } else {
    }
    %ne3A = arith.constant 0 : i32
    %ne3A_46 = arith.cmpi ne, %arg0, %ne3A : i32
    %convert_element_type3A_47 = arith.extui %ne3A_46 : i1 to i32
    %cond3A_48 = arith.constant 0 : i32
    %cond3A_49 = arith.cmpi ne, %convert_element_type3A_47, %cond3A_48 : i32
    scf.if %cond3A_49 {
      "tpu.region"() ({
        %run_scoped3A = tpu.sem_alloc : memref<!tpu.dma_semaphore, #tpu.memory_space<semaphore_mem>>
        %dma_start3A = tpu.memref_slice %arg3[%mul3A_0] : memref<64000xf32, #tpu.memory_space<hbm>> -> memref<4000xf32, #tpu.memory_space<hbm>>
        %dma_start3A_76 = tpu.memref_slice %arg3[%mul3A_0] : memref<64000xf32, #tpu.memory_space<hbm>> -> memref<4000xf32, #tpu.memory_space<hbm>>
        tpu.enqueue_dma source(%dma_start3A_76 : memref<4000xf32, #tpu.memory_space<hbm>>) target(%arg8 : memref<4000xf32, #tpu.memory_space<vmem>>) target_semaphore(%run_scoped3A : memref<!tpu.dma_semaphore, #tpu.memory_space<semaphore_mem>>)
        %dma_wait3A = tpu.memref_slice %arg3[%mul3A_0] : memref<64000xf32, #tpu.memory_space<hbm>> -> memref<4000xf32, #tpu.memory_space<hbm>>
        %dma_wait3A_77 = tpu.memref_slice %arg3[%mul3A_0] : memref<64000xf32, #tpu.memory_space<hbm>> -> memref<4000xf32, #tpu.memory_space<hbm>>
        tpu.wait_dma2 semaphore(%run_scoped3A : memref<!tpu.dma_semaphore, #tpu.memory_space<semaphore_mem>>) src(%dma_wait3A_77 : memref<4000xf32, #tpu.memory_space<hbm>>) dst(%arg8 : memref<4000xf32, #tpu.memory_space<vmem>>)
        tpu.yield
      }) : () -> ()
      %scan3A = arith.constant 0 : i32
      %scan3A_71 = arith.constant 0 : i32
      %scan3A_72 = arith.constant 250 : i32
      %scan3A_73 = arith.addi %scan3A_71, %scan3A_72 : i32
      %scan3A_74 = arith.constant 1 : i32
      scf.for %scan3A_76 = %scan3A_71 to %scan3A_73 step %scan3A_74  : i32 {
        %mul3A_77 = arith.constant 16 : i32
        %mul3A_78 = arith.muli %scan3A_76, %mul3A_77 : i32
        %get3A = arith.index_cast %mul3A_78 : i32 to index
        %get3A_79 = tpu.vector_load %arg8[%get3A] {strides = array<i32>} : memref<4000xf32, #tpu.memory_space<vmem>>, vector<16xf32>,
        %get3A_80 = vector.shape_cast %get3A_79 : vector<16xf32> to vector<16xf32>
        %add3A = arith.constant 1.000000e+00 : f32
        %add3A_81 = vector.broadcast %add3A : f32 to vector<16xf32>
        %add3A_82 = arith.addf %get3A_80, %add3A_81 : vector<16xf32>
        %swap3A_83 = arith.index_cast %mul3A_78 : i32 to index
        %swap3A_84 = tpu.vector_load %arg8[%swap3A_83] {strides = array<i32>} : memref<4000xf32, #tpu.memory_space<vmem>>, vector<16xf32>,
        %swap3A_85 = vector.shape_cast %swap3A_84 : vector<16xf32> to vector<16xf32>
        %swap3A_86 = vector.shape_cast %add3A_82 : vector<16xf32> to vector<16xf32>
        tpu.vector_store %arg8[%swap3A_83], %swap3A_86 {strides = array<i32>} : memref<4000xf32, #tpu.memory_space<vmem>>, vector<16xf32>,
      }
      %scan3A_75 = arith.constant 250 : i32
    } else {
    }
    "tpu.region"() ({
      %run_scoped3A = tpu.sem_alloc : memref<!tpu.dma_semaphore, #tpu.memory_space<semaphore_mem>>
      %dma_start3A = tpu.memref_slice %arg9[%mul3A_0] : memref<64000xf32, #tpu.memory_space<vmem_shared>> -> memref<4000xf32, #tpu.memory_space<vmem_shared>>
      %dma_start3A_71 = tpu.memref_slice %arg9[%mul3A_0] : memref<64000xf32, #tpu.memory_space<vmem_shared>> -> memref<4000xf32, #tpu.memory_space<vmem_shared>>
      tpu.enqueue_dma source(%arg8 : memref<4000xf32, #tpu.memory_space<vmem>>) target(%dma_start3A_71 : memref<4000xf32, #tpu.memory_space<vmem_shared>>) target_semaphore(%run_scoped3A : memref<!tpu.dma_semaphore, #tpu.memory_space<semaphore_mem>>)
      %dma_wait3A = tpu.memref_slice %arg9[%mul3A_0] : memref<64000xf32, #tpu.memory_space<vmem_shared>> -> memref<4000xf32, #tpu.memory_space<vmem_shared>>
      %dma_wait3A_72 = tpu.memref_slice %arg9[%mul3A_0] : memref<64000xf32, #tpu.memory_space<vmem_shared>> -> memref<4000xf32, #tpu.memory_space<vmem_shared>>
      tpu.wait_dma2 semaphore(%run_scoped3A : memref<!tpu.dma_semaphore, #tpu.memory_space<semaphore_mem>>) src(%arg8 : memref<4000xf32, #tpu.memory_space<vmem>>) dst(%dma_wait3A_72 : memref<4000xf32, #tpu.memory_space<vmem_shared>>)
      tpu.yield
    }) : () -> ()
    %barrier3A = arith.constant 0 : index
    tpu.barrier barrier_id(%barrier3A)
    %eq3A_50 = arith.constant 0 : i32
    %eq3A_51 = arith.cmpi eq, %arg0, %eq3A_50 : i32
    %convert_element_type3A_52 = arith.extui %eq3A_51 : i1 to i32
    %cond3A_53 = arith.constant 0 : i32
    %cond3A_54 = arith.cmpi ne, %convert_element_type3A_52, %cond3A_53 : i32
    scf.if %cond3A_54 {
      %run_scoped3A = arith.constant 0 : i32
      "tpu.region"() ({
        %run_scoped3A_78 = tpu.sem_alloc : memref<!tpu.dma_semaphore, #tpu.memory_space<semaphore_mem>>
        %dma_start3A = arith.constant 0 : i32
        %dma_start3A_79 = tpu.memref_slice %arg6[%run_scoped3A, %dma_start3A] : memref<8x128xi32, #tpu.memory_space<vmem>> -> memref<1x128xi32, #tpu.memory_space<vmem>>
        %dma_start3A_80 = tpu.memref_squeeze %dma_start3A_79 : memref<1x128xi32, #tpu.memory_space<vmem>> -> memref<128xi32, #tpu.memory_space<vmem>>
        %dma_start3A_81 = arith.constant 0 : i32
        %dma_start3A_82 = tpu.memref_slice %arg9[%dma_start3A_81] : memref<64000xf32, #tpu.memory_space<vmem_shared>> -> memref<64000xf32, #tpu.memory_space<vmem_shared>>
        tpu.enqueue_indirect_dma source(%arg7 : memref<128xf32, #tpu.memory_space<vmem>>) target(%dma_start3A_82 : memref<64000xf32, #tpu.memory_space<vmem_shared>>) offsets(%dma_start3A_80 : memref<128xi32, #tpu.memory_space<vmem>>) semaphore(%run_scoped3A_78 : memref<!tpu.dma_semaphore, #tpu.memory_space<semaphore_mem>>) {add = true}
        %dma_wait3A = arith.constant 0 : i32
        %dma_wait3A_83 = tpu.memref_slice %arg6[%run_scoped3A, %dma_wait3A] : memref<8x128xi32, #tpu.memory_space<vmem>> -> memref<1x128xi32, #tpu.memory_space<vmem>>
        %dma_wait3A_84 = tpu.memref_squeeze %dma_wait3A_83 : memref<1x128xi32, #tpu.memory_space<vmem>> -> memref<128xi32, #tpu.memory_space<vmem>>
        %dma_wait3A_85 = arith.constant 0 : i32
        %dma_wait3A_86 = tpu.memref_slice %arg9[%dma_wait3A_85] : memref<64000xf32, #tpu.memory_space<vmem_shared>> -> memref<64000xf32, #tpu.memory_space<vmem_shared>>
        tpu.wait_indirect_dma semaphore(%run_scoped3A_78 : memref<!tpu.dma_semaphore, #tpu.memory_space<semaphore_mem>>) src(%arg7 : memref<128xf32, #tpu.memory_space<vmem>>) dst(%dma_wait3A_86 : memref<64000xf32, #tpu.memory_space<vmem_shared>>)
        tpu.yield
      }) : () -> ()
      %run_scoped3A_71 = arith.constant 1 : i32
      "tpu.region"() ({
        %run_scoped3A_78 = tpu.sem_alloc : memref<!tpu.dma_semaphore, #tpu.memory_space<semaphore_mem>>
        %dma_start3A = arith.constant 0 : i32
        %dma_start3A_79 = tpu.memref_slice %arg6[%run_scoped3A_71, %dma_start3A] : memref<8x128xi32, #tpu.memory_space<vmem>> -> memref<1x128xi32, #tpu.memory_space<vmem>>
        %dma_start3A_80 = tpu.memref_squeeze %dma_start3A_79 : memref<1x128xi32, #tpu.memory_space<vmem>> -> memref<128xi32, #tpu.memory_space<vmem>>
        %dma_start3A_81 = arith.constant 0 : i32
        %dma_start3A_82 = tpu.memref_slice %arg9[%dma_start3A_81] : memref<64000xf32, #tpu.memory_space<vmem_shared>> -> memref<64000xf32, #tpu.memory_space<vmem_shared>>
        tpu.enqueue_indirect_dma source(%arg7 : memref<128xf32, #tpu.memory_space<vmem>>) target(%dma_start3A_82 : memref<64000xf32, #tpu.memory_space<vmem_shared>>) offsets(%dma_start3A_80 : memref<128xi32, #tpu.memory_space<vmem>>) semaphore(%run_scoped3A_78 : memref<!tpu.dma_semaphore, #tpu.memory_space<semaphore_mem>>) {add = true}
        %dma_wait3A = arith.constant 0 : i32
        %dma_wait3A_83 = tpu.memref_slice %arg6[%run_scoped3A_71, %dma_wait3A] : memref<8x128xi32, #tpu.memory_space<vmem>> -> memref<1x128xi32, #tpu.memory_space<vmem>>
        %dma_wait3A_84 = tpu.memref_squeeze %dma_wait3A_83 : memref<1x128xi32, #tpu.memory_space<vmem>> -> memref<128xi32, #tpu.memory_space<vmem>>
        %dma_wait3A_85 = arith.constant 0 : i32
        %dma_wait3A_86 = tpu.memref_slice %arg9[%dma_wait3A_85] : memref<64000xf32, #tpu.memory_space<vmem_shared>> -> memref<64000xf32, #tpu.memory_space<vmem_shared>>
        tpu.wait_indirect_dma semaphore(%run_scoped3A_78 : memref<!tpu.dma_semaphore, #tpu.memory_space<semaphore_mem>>) src(%arg7 : memref<128xf32, #tpu.memory_space<vmem>>) dst(%dma_wait3A_86 : memref<64000xf32, #tpu.memory_space<vmem_shared>>)
        tpu.yield
      }) : () -> ()
      %run_scoped3A_72 = arith.constant 2 : i32
      "tpu.region"() ({
        %run_scoped3A_78 = tpu.sem_alloc : memref<!tpu.dma_semaphore, #tpu.memory_space<semaphore_mem>>
        %dma_start3A = arith.constant 0 : i32
        %dma_start3A_79 = tpu.memref_slice %arg6[%run_scoped3A_72, %dma_start3A] : memref<8x128xi32, #tpu.memory_space<vmem>> -> memref<1x128xi32, #tpu.memory_space<vmem>>
        %dma_start3A_80 = tpu.memref_squeeze %dma_start3A_79 : memref<1x128xi32, #tpu.memory_space<vmem>> -> memref<128xi32, #tpu.memory_space<vmem>>
        %dma_start3A_81 = arith.constant 0 : i32
        %dma_start3A_82 = tpu.memref_slice %arg9[%dma_start3A_81] : memref<64000xf32, #tpu.memory_space<vmem_shared>> -> memref<64000xf32, #tpu.memory_space<vmem_shared>>
        tpu.enqueue_indirect_dma source(%arg7 : memref<128xf32, #tpu.memory_space<vmem>>) target(%dma_start3A_82 : memref<64000xf32, #tpu.memory_space<vmem_shared>>) offsets(%dma_start3A_80 : memref<128xi32, #tpu.memory_space<vmem>>) semaphore(%run_scoped3A_78 : memref<!tpu.dma_semaphore, #tpu.memory_space<semaphore_mem>>) {add = true}
        %dma_wait3A = arith.constant 0 : i32
        %dma_wait3A_83 = tpu.memref_slice %arg6[%run_scoped3A_72, %dma_wait3A] : memref<8x128xi32, #tpu.memory_space<vmem>> -> memref<1x128xi32, #tpu.memory_space<vmem>>
        %dma_wait3A_84 = tpu.memref_squeeze %dma_wait3A_83 : memref<1x128xi32, #tpu.memory_space<vmem>> -> memref<128xi32, #tpu.memory_space<vmem>>
        %dma_wait3A_85 = arith.constant 0 : i32
        %dma_wait3A_86 = tpu.memref_slice %arg9[%dma_wait3A_85] : memref<64000xf32, #tpu.memory_space<vmem_shared>> -> memref<64000xf32, #tpu.memory_space<vmem_shared>>
        tpu.wait_indirect_dma semaphore(%run_scoped3A_78 : memref<!tpu.dma_semaphore, #tpu.memory_space<semaphore_mem>>) src(%arg7 : memref<128xf32, #tpu.memory_space<vmem>>) dst(%dma_wait3A_86 : memref<64000xf32, #tpu.memory_space<vmem_shared>>)
        tpu.yield
      }) : () -> ()
      %run_scoped3A_73 = arith.constant 3 : i32
      "tpu.region"() ({
        %run_scoped3A_78 = tpu.sem_alloc : memref<!tpu.dma_semaphore, #tpu.memory_space<semaphore_mem>>
        %dma_start3A = arith.constant 0 : i32
        %dma_start3A_79 = tpu.memref_slice %arg6[%run_scoped3A_73, %dma_start3A] : memref<8x128xi32, #tpu.memory_space<vmem>> -> memref<1x128xi32, #tpu.memory_space<vmem>>
        %dma_start3A_80 = tpu.memref_squeeze %dma_start3A_79 : memref<1x128xi32, #tpu.memory_space<vmem>> -> memref<128xi32, #tpu.memory_space<vmem>>
        %dma_start3A_81 = arith.constant 0 : i32
        %dma_start3A_82 = tpu.memref_slice %arg9[%dma_start3A_81] : memref<64000xf32, #tpu.memory_space<vmem_shared>> -> memref<64000xf32, #tpu.memory_space<vmem_shared>>
        tpu.enqueue_indirect_dma source(%arg7 : memref<128xf32, #tpu.memory_space<vmem>>) target(%dma_start3A_82 : memref<64000xf32, #tpu.memory_space<vmem_shared>>) offsets(%dma_start3A_80 : memref<128xi32, #tpu.memory_space<vmem>>) semaphore(%run_scoped3A_78 : memref<!tpu.dma_semaphore, #tpu.memory_space<semaphore_mem>>) {add = true}
        %dma_wait3A = arith.constant 0 : i32
        %dma_wait3A_83 = tpu.memref_slice %arg6[%run_scoped3A_73, %dma_wait3A] : memref<8x128xi32, #tpu.memory_space<vmem>> -> memref<1x128xi32, #tpu.memory_space<vmem>>
        %dma_wait3A_84 = tpu.memref_squeeze %dma_wait3A_83 : memref<1x128xi32, #tpu.memory_space<vmem>> -> memref<128xi32, #tpu.memory_space<vmem>>
        %dma_wait3A_85 = arith.constant 0 : i32
        %dma_wait3A_86 = tpu.memref_slice %arg9[%dma_wait3A_85] : memref<64000xf32, #tpu.memory_space<vmem_shared>> -> memref<64000xf32, #tpu.memory_space<vmem_shared>>
        tpu.wait_indirect_dma semaphore(%run_scoped3A_78 : memref<!tpu.dma_semaphore, #tpu.memory_space<semaphore_mem>>) src(%arg7 : memref<128xf32, #tpu.memory_space<vmem>>) dst(%dma_wait3A_86 : memref<64000xf32, #tpu.memory_space<vmem_shared>>)
        tpu.yield
      }) : () -> ()
      %run_scoped3A_74 = arith.constant 4 : i32
      "tpu.region"() ({
        %run_scoped3A_78 = tpu.sem_alloc : memref<!tpu.dma_semaphore, #tpu.memory_space<semaphore_mem>>
        %dma_start3A = arith.constant 0 : i32
        %dma_start3A_79 = tpu.memref_slice %arg6[%run_scoped3A_74, %dma_start3A] : memref<8x128xi32, #tpu.memory_space<vmem>> -> memref<1x128xi32, #tpu.memory_space<vmem>>
        %dma_start3A_80 = tpu.memref_squeeze %dma_start3A_79 : memref<1x128xi32, #tpu.memory_space<vmem>> -> memref<128xi32, #tpu.memory_space<vmem>>
        %dma_start3A_81 = arith.constant 0 : i32
        %dma_start3A_82 = tpu.memref_slice %arg9[%dma_start3A_81] : memref<64000xf32, #tpu.memory_space<vmem_shared>> -> memref<64000xf32, #tpu.memory_space<vmem_shared>>
        tpu.enqueue_indirect_dma source(%arg7 : memref<128xf32, #tpu.memory_space<vmem>>) target(%dma_start3A_82 : memref<64000xf32, #tpu.memory_space<vmem_shared>>) offsets(%dma_start3A_80 : memref<128xi32, #tpu.memory_space<vmem>>) semaphore(%run_scoped3A_78 : memref<!tpu.dma_semaphore, #tpu.memory_space<semaphore_mem>>) {add = true}
        %dma_wait3A = arith.constant 0 : i32
        %dma_wait3A_83 = tpu.memref_slice %arg6[%run_scoped3A_74, %dma_wait3A] : memref<8x128xi32, #tpu.memory_space<vmem>> -> memref<1x128xi32, #tpu.memory_space<vmem>>
        %dma_wait3A_84 = tpu.memref_squeeze %dma_wait3A_83 : memref<1x128xi32, #tpu.memory_space<vmem>> -> memref<128xi32, #tpu.memory_space<vmem>>
        %dma_wait3A_85 = arith.constant 0 : i32
        %dma_wait3A_86 = tpu.memref_slice %arg9[%dma_wait3A_85] : memref<64000xf32, #tpu.memory_space<vmem_shared>> -> memref<64000xf32, #tpu.memory_space<vmem_shared>>
        tpu.wait_indirect_dma semaphore(%run_scoped3A_78 : memref<!tpu.dma_semaphore, #tpu.memory_space<semaphore_mem>>) src(%arg7 : memref<128xf32, #tpu.memory_space<vmem>>) dst(%dma_wait3A_86 : memref<64000xf32, #tpu.memory_space<vmem_shared>>)
        tpu.yield
      }) : () -> ()
      %run_scoped3A_75 = arith.constant 5 : i32
      "tpu.region"() ({
        %run_scoped3A_78 = tpu.sem_alloc : memref<!tpu.dma_semaphore, #tpu.memory_space<semaphore_mem>>
        %dma_start3A = arith.constant 0 : i32
        %dma_start3A_79 = tpu.memref_slice %arg6[%run_scoped3A_75, %dma_start3A] : memref<8x128xi32, #tpu.memory_space<vmem>> -> memref<1x128xi32, #tpu.memory_space<vmem>>
        %dma_start3A_80 = tpu.memref_squeeze %dma_start3A_79 : memref<1x128xi32, #tpu.memory_space<vmem>> -> memref<128xi32, #tpu.memory_space<vmem>>
        %dma_start3A_81 = arith.constant 0 : i32
        %dma_start3A_82 = tpu.memref_slice %arg9[%dma_start3A_81] : memref<64000xf32, #tpu.memory_space<vmem_shared>> -> memref<64000xf32, #tpu.memory_space<vmem_shared>>
        tpu.enqueue_indirect_dma source(%arg7 : memref<128xf32, #tpu.memory_space<vmem>>) target(%dma_start3A_82 : memref<64000xf32, #tpu.memory_space<vmem_shared>>) offsets(%dma_start3A_80 : memref<128xi32, #tpu.memory_space<vmem>>) semaphore(%run_scoped3A_78 : memref<!tpu.dma_semaphore, #tpu.memory_space<semaphore_mem>>) {add = true}
        %dma_wait3A = arith.constant 0 : i32
        %dma_wait3A_83 = tpu.memref_slice %arg6[%run_scoped3A_75, %dma_wait3A] : memref<8x128xi32, #tpu.memory_space<vmem>> -> memref<1x128xi32, #tpu.memory_space<vmem>>
        %dma_wait3A_84 = tpu.memref_squeeze %dma_wait3A_83 : memref<1x128xi32, #tpu.memory_space<vmem>> -> memref<128xi32, #tpu.memory_space<vmem>>
        %dma_wait3A_85 = arith.constant 0 : i32
        %dma_wait3A_86 = tpu.memref_slice %arg9[%dma_wait3A_85] : memref<64000xf32, #tpu.memory_space<vmem_shared>> -> memref<64000xf32, #tpu.memory_space<vmem_shared>>
        tpu.wait_indirect_dma semaphore(%run_scoped3A_78 : memref<!tpu.dma_semaphore, #tpu.memory_space<semaphore_mem>>) src(%arg7 : memref<128xf32, #tpu.memory_space<vmem>>) dst(%dma_wait3A_86 : memref<64000xf32, #tpu.memory_space<vmem_shared>>)
        tpu.yield
      }) : () -> ()
      %run_scoped3A_76 = arith.constant 6 : i32
      "tpu.region"() ({
        %run_scoped3A_78 = tpu.sem_alloc : memref<!tpu.dma_semaphore, #tpu.memory_space<semaphore_mem>>
        %dma_start3A = arith.constant 0 : i32
        %dma_start3A_79 = tpu.memref_slice %arg6[%run_scoped3A_76, %dma_start3A] : memref<8x128xi32, #tpu.memory_space<vmem>> -> memref<1x128xi32, #tpu.memory_space<vmem>>
        %dma_start3A_80 = tpu.memref_squeeze %dma_start3A_79 : memref<1x128xi32, #tpu.memory_space<vmem>> -> memref<128xi32, #tpu.memory_space<vmem>>
        %dma_start3A_81 = arith.constant 0 : i32
        %dma_start3A_82 = tpu.memref_slice %arg9[%dma_start3A_81] : memref<64000xf32, #tpu.memory_space<vmem_shared>> -> memref<64000xf32, #tpu.memory_space<vmem_shared>>
        tpu.enqueue_indirect_dma source(%arg7 : memref<128xf32, #tpu.memory_space<vmem>>) target(%dma_start3A_82 : memref<64000xf32, #tpu.memory_space<vmem_shared>>) offsets(%dma_start3A_80 : memref<128xi32, #tpu.memory_space<vmem>>) semaphore(%run_scoped3A_78 : memref<!tpu.dma_semaphore, #tpu.memory_space<semaphore_mem>>) {add = true}
        %dma_wait3A = arith.constant 0 : i32
        %dma_wait3A_83 = tpu.memref_slice %arg6[%run_scoped3A_76, %dma_wait3A] : memref<8x128xi32, #tpu.memory_space<vmem>> -> memref<1x128xi32, #tpu.memory_space<vmem>>
        %dma_wait3A_84 = tpu.memref_squeeze %dma_wait3A_83 : memref<1x128xi32, #tpu.memory_space<vmem>> -> memref<128xi32, #tpu.memory_space<vmem>>
        %dma_wait3A_85 = arith.constant 0 : i32
        %dma_wait3A_86 = tpu.memref_slice %arg9[%dma_wait3A_85] : memref<64000xf32, #tpu.memory_space<vmem_shared>> -> memref<64000xf32, #tpu.memory_space<vmem_shared>>
        tpu.wait_indirect_dma semaphore(%run_scoped3A_78 : memref<!tpu.dma_semaphore, #tpu.memory_space<semaphore_mem>>) src(%arg7 : memref<128xf32, #tpu.memory_space<vmem>>) dst(%dma_wait3A_86 : memref<64000xf32, #tpu.memory_space<vmem_shared>>)
        tpu.yield
      }) : () -> ()
      %run_scoped3A_77 = arith.constant 7 : i32
      "tpu.region"() ({
        %run_scoped3A_78 = tpu.sem_alloc : memref<!tpu.dma_semaphore, #tpu.memory_space<semaphore_mem>>
        %dma_start3A = arith.constant 0 : i32
        %dma_start3A_79 = tpu.memref_slice %arg6[%run_scoped3A_77, %dma_start3A] : memref<8x128xi32, #tpu.memory_space<vmem>> -> memref<1x128xi32, #tpu.memory_space<vmem>>
        %dma_start3A_80 = tpu.memref_squeeze %dma_start3A_79 : memref<1x128xi32, #tpu.memory_space<vmem>> -> memref<128xi32, #tpu.memory_space<vmem>>
        %dma_start3A_81 = arith.constant 0 : i32
        %dma_start3A_82 = tpu.memref_slice %arg9[%dma_start3A_81] : memref<64000xf32, #tpu.memory_space<vmem_shared>> -> memref<64000xf32, #tpu.memory_space<vmem_shared>>
        tpu.enqueue_indirect_dma source(%arg7 : memref<128xf32, #tpu.memory_space<vmem>>) target(%dma_start3A_82 : memref<64000xf32, #tpu.memory_space<vmem_shared>>) offsets(%dma_start3A_80 : memref<128xi32, #tpu.memory_space<vmem>>) semaphore(%run_scoped3A_78 : memref<!tpu.dma_semaphore, #tpu.memory_space<semaphore_mem>>) {add = true}
        %dma_wait3A = arith.constant 0 : i32
        %dma_wait3A_83 = tpu.memref_slice %arg6[%run_scoped3A_77, %dma_wait3A] : memref<8x128xi32, #tpu.memory_space<vmem>> -> memref<1x128xi32, #tpu.memory_space<vmem>>
        %dma_wait3A_84 = tpu.memref_squeeze %dma_wait3A_83 : memref<1x128xi32, #tpu.memory_space<vmem>> -> memref<128xi32, #tpu.memory_space<vmem>>
        %dma_wait3A_85 = arith.constant 0 : i32
        %dma_wait3A_86 = tpu.memref_slice %arg9[%dma_wait3A_85] : memref<64000xf32, #tpu.memory_space<vmem_shared>> -> memref<64000xf32, #tpu.memory_space<vmem_shared>>
        tpu.wait_indirect_dma semaphore(%run_scoped3A_78 : memref<!tpu.dma_semaphore, #tpu.memory_space<semaphore_mem>>) src(%arg7 : memref<128xf32, #tpu.memory_space<vmem>>) dst(%dma_wait3A_86 : memref<64000xf32, #tpu.memory_space<vmem_shared>>)
        tpu.yield
      }) : () -> ()
    } else {
    }
    %ne3A_55 = arith.constant 0 : i32
    %ne3A_56 = arith.cmpi ne, %arg0, %ne3A_55 : i32
    %convert_element_type3A_57 = arith.extui %ne3A_56 : i1 to i32
    %cond3A_58 = arith.constant 0 : i32
    %cond3A_59 = arith.cmpi ne, %convert_element_type3A_57, %cond3A_58 : i32
    scf.if %cond3A_59 {
      %run_scoped3A = arith.constant 0 : i32
      "tpu.region"() ({
        %run_scoped3A_78 = tpu.sem_alloc : memref<!tpu.dma_semaphore, #tpu.memory_space<semaphore_mem>>
        %dma_start3A = arith.constant 0 : i32
        %dma_start3A_79 = tpu.memref_slice %arg6[%run_scoped3A, %dma_start3A] : memref<8x128xi32, #tpu.memory_space<vmem>> -> memref<1x128xi32, #tpu.memory_space<vmem>>
        %dma_start3A_80 = tpu.memref_squeeze %dma_start3A_79 : memref<1x128xi32, #tpu.memory_space<vmem>> -> memref<128xi32, #tpu.memory_space<vmem>>
        %dma_start3A_81 = arith.constant 0 : i32
        %dma_start3A_82 = tpu.memref_slice %arg9[%dma_start3A_81] : memref<64000xf32, #tpu.memory_space<vmem_shared>> -> memref<64000xf32, #tpu.memory_space<vmem_shared>>
        tpu.enqueue_indirect_dma source(%arg7 : memref<128xf32, #tpu.memory_space<vmem>>) target(%dma_start3A_82 : memref<64000xf32, #tpu.memory_space<vmem_shared>>) offsets(%dma_start3A_80 : memref<128xi32, #tpu.memory_space<vmem>>) semaphore(%run_scoped3A_78 : memref<!tpu.dma_semaphore, #tpu.memory_space<semaphore_mem>>)
        %dma_wait3A = arith.constant 0 : i32
        %dma_wait3A_83 = tpu.memref_slice %arg6[%run_scoped3A, %dma_wait3A] : memref<8x128xi32, #tpu.memory_space<vmem>> -> memref<1x128xi32, #tpu.memory_space<vmem>>
        %dma_wait3A_84 = tpu.memref_squeeze %dma_wait3A_83 : memref<1x128xi32, #tpu.memory_space<vmem>> -> memref<128xi32, #tpu.memory_space<vmem>>
        %dma_wait3A_85 = arith.constant 0 : i32
        %dma_wait3A_86 = tpu.memref_slice %arg9[%dma_wait3A_85] : memref<64000xf32, #tpu.memory_space<vmem_shared>> -> memref<64000xf32, #tpu.memory_space<vmem_shared>>
        tpu.wait_indirect_dma semaphore(%run_scoped3A_78 : memref<!tpu.dma_semaphore, #tpu.memory_space<semaphore_mem>>) src(%arg7 : memref<128xf32, #tpu.memory_space<vmem>>) dst(%dma_wait3A_86 : memref<64000xf32, #tpu.memory_space<vmem_shared>>)
        tpu.yield
      }) : () -> ()
      %run_scoped3A_71 = arith.constant 1 : i32
      "tpu.region"() ({
        %run_scoped3A_78 = tpu.sem_alloc : memref<!tpu.dma_semaphore, #tpu.memory_space<semaphore_mem>>
        %dma_start3A = arith.constant 0 : i32
        %dma_start3A_79 = tpu.memref_slice %arg6[%run_scoped3A_71, %dma_start3A] : memref<8x128xi32, #tpu.memory_space<vmem>> -> memref<1x128xi32, #tpu.memory_space<vmem>>
        %dma_start3A_80 = tpu.memref_squeeze %dma_start3A_79 : memref<1x128xi32, #tpu.memory_space<vmem>> -> memref<128xi32, #tpu.memory_space<vmem>>
        %dma_start3A_81 = arith.constant 0 : i32
        %dma_start3A_82 = tpu.memref_slice %arg9[%dma_start3A_81] : memref<64000xf32, #tpu.memory_space<vmem_shared>> -> memref<64000xf32, #tpu.memory_space<vmem_shared>>
        tpu.enqueue_indirect_dma source(%arg7 : memref<128xf32, #tpu.memory_space<vmem>>) target(%dma_start3A_82 : memref<64000xf32, #tpu.memory_space<vmem_shared>>) offsets(%dma_start3A_80 : memref<128xi32, #tpu.memory_space<vmem>>) semaphore(%run_scoped3A_78 : memref<!tpu.dma_semaphore, #tpu.memory_space<semaphore_mem>>)
        %dma_wait3A = arith.constant 0 : i32
        %dma_wait3A_83 = tpu.memref_slice %arg6[%run_scoped3A_71, %dma_wait3A] : memref<8x128xi32, #tpu.memory_space<vmem>> -> memref<1x128xi32, #tpu.memory_space<vmem>>
        %dma_wait3A_84 = tpu.memref_squeeze %dma_wait3A_83 : memref<1x128xi32, #tpu.memory_space<vmem>> -> memref<128xi32, #tpu.memory_space<vmem>>
        %dma_wait3A_85 = arith.constant 0 : i32
        %dma_wait3A_86 = tpu.memref_slice %arg9[%dma_wait3A_85] : memref<64000xf32, #tpu.memory_space<vmem_shared>> -> memref<64000xf32, #tpu.memory_space<vmem_shared>>
        tpu.wait_indirect_dma semaphore(%run_scoped3A_78 : memref<!tpu.dma_semaphore, #tpu.memory_space<semaphore_mem>>) src(%arg7 : memref<128xf32, #tpu.memory_space<vmem>>) dst(%dma_wait3A_86 : memref<64000xf32, #tpu.memory_space<vmem_shared>>)
        tpu.yield
      }) : () -> ()
      %run_scoped3A_72 = arith.constant 2 : i32
      "tpu.region"() ({
        %run_scoped3A_78 = tpu.sem_alloc : memref<!tpu.dma_semaphore, #tpu.memory_space<semaphore_mem>>
        %dma_start3A = arith.constant 0 : i32
        %dma_start3A_79 = tpu.memref_slice %arg6[%run_scoped3A_72, %dma_start3A] : memref<8x128xi32, #tpu.memory_space<vmem>> -> memref<1x128xi32, #tpu.memory_space<vmem>>
        %dma_start3A_80 = tpu.memref_squeeze %dma_start3A_79 : memref<1x128xi32, #tpu.memory_space<vmem>> -> memref<128xi32, #tpu.memory_space<vmem>>
        %dma_start3A_81 = arith.constant 0 : i32
        %dma_start3A_82 = tpu.memref_slice %arg9[%dma_start3A_81] : memref<64000xf32, #tpu.memory_space<vmem_shared>> -> memref<64000xf32, #tpu.memory_space<vmem_shared>>
        tpu.enqueue_indirect_dma source(%arg7 : memref<128xf32, #tpu.memory_space<vmem>>) target(%dma_start3A_82 : memref<64000xf32, #tpu.memory_space<vmem_shared>>) offsets(%dma_start3A_80 : memref<128xi32, #tpu.memory_space<vmem>>) semaphore(%run_scoped3A_78 : memref<!tpu.dma_semaphore, #tpu.memory_space<semaphore_mem>>)
        %dma_wait3A = arith.constant 0 : i32
        %dma_wait3A_83 = tpu.memref_slice %arg6[%run_scoped3A_72, %dma_wait3A] : memref<8x128xi32, #tpu.memory_space<vmem>> -> memref<1x128xi32, #tpu.memory_space<vmem>>
        %dma_wait3A_84 = tpu.memref_squeeze %dma_wait3A_83 : memref<1x128xi32, #tpu.memory_space<vmem>> -> memref<128xi32, #tpu.memory_space<vmem>>
        %dma_wait3A_85 = arith.constant 0 : i32
        %dma_wait3A_86 = tpu.memref_slice %arg9[%dma_wait3A_85] : memref<64000xf32, #tpu.memory_space<vmem_shared>> -> memref<64000xf32, #tpu.memory_space<vmem_shared>>
        tpu.wait_indirect_dma semaphore(%run_scoped3A_78 : memref<!tpu.dma_semaphore, #tpu.memory_space<semaphore_mem>>) src(%arg7 : memref<128xf32, #tpu.memory_space<vmem>>) dst(%dma_wait3A_86 : memref<64000xf32, #tpu.memory_space<vmem_shared>>)
        tpu.yield
      }) : () -> ()
      %run_scoped3A_73 = arith.constant 3 : i32
      "tpu.region"() ({
        %run_scoped3A_78 = tpu.sem_alloc : memref<!tpu.dma_semaphore, #tpu.memory_space<semaphore_mem>>
        %dma_start3A = arith.constant 0 : i32
        %dma_start3A_79 = tpu.memref_slice %arg6[%run_scoped3A_73, %dma_start3A] : memref<8x128xi32, #tpu.memory_space<vmem>> -> memref<1x128xi32, #tpu.memory_space<vmem>>
        %dma_start3A_80 = tpu.memref_squeeze %dma_start3A_79 : memref<1x128xi32, #tpu.memory_space<vmem>> -> memref<128xi32, #tpu.memory_space<vmem>>
        %dma_start3A_81 = arith.constant 0 : i32
        %dma_start3A_82 = tpu.memref_slice %arg9[%dma_start3A_81] : memref<64000xf32, #tpu.memory_space<vmem_shared>> -> memref<64000xf32, #tpu.memory_space<vmem_shared>>
        tpu.enqueue_indirect_dma source(%arg7 : memref<128xf32, #tpu.memory_space<vmem>>) target(%dma_start3A_82 : memref<64000xf32, #tpu.memory_space<vmem_shared>>) offsets(%dma_start3A_80 : memref<128xi32, #tpu.memory_space<vmem>>) semaphore(%run_scoped3A_78 : memref<!tpu.dma_semaphore, #tpu.memory_space<semaphore_mem>>)
        %dma_wait3A = arith.constant 0 : i32
        %dma_wait3A_83 = tpu.memref_slice %arg6[%run_scoped3A_73, %dma_wait3A] : memref<8x128xi32, #tpu.memory_space<vmem>> -> memref<1x128xi32, #tpu.memory_space<vmem>>
        %dma_wait3A_84 = tpu.memref_squeeze %dma_wait3A_83 : memref<1x128xi32, #tpu.memory_space<vmem>> -> memref<128xi32, #tpu.memory_space<vmem>>
        %dma_wait3A_85 = arith.constant 0 : i32
        %dma_wait3A_86 = tpu.memref_slice %arg9[%dma_wait3A_85] : memref<64000xf32, #tpu.memory_space<vmem_shared>> -> memref<64000xf32, #tpu.memory_space<vmem_shared>>
        tpu.wait_indirect_dma semaphore(%run_scoped3A_78 : memref<!tpu.dma_semaphore, #tpu.memory_space<semaphore_mem>>) src(%arg7 : memref<128xf32, #tpu.memory_space<vmem>>) dst(%dma_wait3A_86 : memref<64000xf32, #tpu.memory_space<vmem_shared>>)
        tpu.yield
      }) : () -> ()
      %run_scoped3A_74 = arith.constant 4 : i32
      "tpu.region"() ({
        %run_scoped3A_78 = tpu.sem_alloc : memref<!tpu.dma_semaphore, #tpu.memory_space<semaphore_mem>>
        %dma_start3A = arith.constant 0 : i32
        %dma_start3A_79 = tpu.memref_slice %arg6[%run_scoped3A_74, %dma_start3A] : memref<8x128xi32, #tpu.memory_space<vmem>> -> memref<1x128xi32, #tpu.memory_space<vmem>>
        %dma_start3A_80 = tpu.memref_squeeze %dma_start3A_79 : memref<1x128xi32, #tpu.memory_space<vmem>> -> memref<128xi32, #tpu.memory_space<vmem>>
        %dma_start3A_81 = arith.constant 0 : i32
        %dma_start3A_82 = tpu.memref_slice %arg9[%dma_start3A_81] : memref<64000xf32, #tpu.memory_space<vmem_shared>> -> memref<64000xf32, #tpu.memory_space<vmem_shared>>
        tpu.enqueue_indirect_dma source(%arg7 : memref<128xf32, #tpu.memory_space<vmem>>) target(%dma_start3A_82 : memref<64000xf32, #tpu.memory_space<vmem_shared>>) offsets(%dma_start3A_80 : memref<128xi32, #tpu.memory_space<vmem>>) semaphore(%run_scoped3A_78 : memref<!tpu.dma_semaphore, #tpu.memory_space<semaphore_mem>>)
        %dma_wait3A = arith.constant 0 : i32
        %dma_wait3A_83 = tpu.memref_slice %arg6[%run_scoped3A_74, %dma_wait3A] : memref<8x128xi32, #tpu.memory_space<vmem>> -> memref<1x128xi32, #tpu.memory_space<vmem>>
        %dma_wait3A_84 = tpu.memref_squeeze %dma_wait3A_83 : memref<1x128xi32, #tpu.memory_space<vmem>> -> memref<128xi32, #tpu.memory_space<vmem>>
        %dma_wait3A_85 = arith.constant 0 : i32
        %dma_wait3A_86 = tpu.memref_slice %arg9[%dma_wait3A_85] : memref<64000xf32, #tpu.memory_space<vmem_shared>> -> memref<64000xf32, #tpu.memory_space<vmem_shared>>
        tpu.wait_indirect_dma semaphore(%run_scoped3A_78 : memref<!tpu.dma_semaphore, #tpu.memory_space<semaphore_mem>>) src(%arg7 : memref<128xf32, #tpu.memory_space<vmem>>) dst(%dma_wait3A_86 : memref<64000xf32, #tpu.memory_space<vmem_shared>>)
        tpu.yield
      }) : () -> ()
      %run_scoped3A_75 = arith.constant 5 : i32
      "tpu.region"() ({
        %run_scoped3A_78 = tpu.sem_alloc : memref<!tpu.dma_semaphore, #tpu.memory_space<semaphore_mem>>
        %dma_start3A = arith.constant 0 : i32
        %dma_start3A_79 = tpu.memref_slice %arg6[%run_scoped3A_75, %dma_start3A] : memref<8x128xi32, #tpu.memory_space<vmem>> -> memref<1x128xi32, #tpu.memory_space<vmem>>
        %dma_start3A_80 = tpu.memref_squeeze %dma_start3A_79 : memref<1x128xi32, #tpu.memory_space<vmem>> -> memref<128xi32, #tpu.memory_space<vmem>>
        %dma_start3A_81 = arith.constant 0 : i32
        %dma_start3A_82 = tpu.memref_slice %arg9[%dma_start3A_81] : memref<64000xf32, #tpu.memory_space<vmem_shared>> -> memref<64000xf32, #tpu.memory_space<vmem_shared>>
        tpu.enqueue_indirect_dma source(%arg7 : memref<128xf32, #tpu.memory_space<vmem>>) target(%dma_start3A_82 : memref<64000xf32, #tpu.memory_space<vmem_shared>>) offsets(%dma_start3A_80 : memref<128xi32, #tpu.memory_space<vmem>>) semaphore(%run_scoped3A_78 : memref<!tpu.dma_semaphore, #tpu.memory_space<semaphore_mem>>)
        %dma_wait3A = arith.constant 0 : i32
        %dma_wait3A_83 = tpu.memref_slice %arg6[%run_scoped3A_75, %dma_wait3A] : memref<8x128xi32, #tpu.memory_space<vmem>> -> memref<1x128xi32, #tpu.memory_space<vmem>>
        %dma_wait3A_84 = tpu.memref_squeeze %dma_wait3A_83 : memref<1x128xi32, #tpu.memory_space<vmem>> -> memref<128xi32, #tpu.memory_space<vmem>>
        %dma_wait3A_85 = arith.constant 0 : i32
        %dma_wait3A_86 = tpu.memref_slice %arg9[%dma_wait3A_85] : memref<64000xf32, #tpu.memory_space<vmem_shared>> -> memref<64000xf32, #tpu.memory_space<vmem_shared>>
        tpu.wait_indirect_dma semaphore(%run_scoped3A_78 : memref<!tpu.dma_semaphore, #tpu.memory_space<semaphore_mem>>) src(%arg7 : memref<128xf32, #tpu.memory_space<vmem>>) dst(%dma_wait3A_86 : memref<64000xf32, #tpu.memory_space<vmem_shared>>)
        tpu.yield
      }) : () -> ()
      %run_scoped3A_76 = arith.constant 6 : i32
      "tpu.region"() ({
        %run_scoped3A_78 = tpu.sem_alloc : memref<!tpu.dma_semaphore, #tpu.memory_space<semaphore_mem>>
        %dma_start3A = arith.constant 0 : i32
        %dma_start3A_79 = tpu.memref_slice %arg6[%run_scoped3A_76, %dma_start3A] : memref<8x128xi32, #tpu.memory_space<vmem>> -> memref<1x128xi32, #tpu.memory_space<vmem>>
        %dma_start3A_80 = tpu.memref_squeeze %dma_start3A_79 : memref<1x128xi32, #tpu.memory_space<vmem>> -> memref<128xi32, #tpu.memory_space<vmem>>
        %dma_start3A_81 = arith.constant 0 : i32
        %dma_start3A_82 = tpu.memref_slice %arg9[%dma_start3A_81] : memref<64000xf32, #tpu.memory_space<vmem_shared>> -> memref<64000xf32, #tpu.memory_space<vmem_shared>>
        tpu.enqueue_indirect_dma source(%arg7 : memref<128xf32, #tpu.memory_space<vmem>>) target(%dma_start3A_82 : memref<64000xf32, #tpu.memory_space<vmem_shared>>) offsets(%dma_start3A_80 : memref<128xi32, #tpu.memory_space<vmem>>) semaphore(%run_scoped3A_78 : memref<!tpu.dma_semaphore, #tpu.memory_space<semaphore_mem>>)
        %dma_wait3A = arith.constant 0 : i32
        %dma_wait3A_83 = tpu.memref_slice %arg6[%run_scoped3A_76, %dma_wait3A] : memref<8x128xi32, #tpu.memory_space<vmem>> -> memref<1x128xi32, #tpu.memory_space<vmem>>
        %dma_wait3A_84 = tpu.memref_squeeze %dma_wait3A_83 : memref<1x128xi32, #tpu.memory_space<vmem>> -> memref<128xi32, #tpu.memory_space<vmem>>
        %dma_wait3A_85 = arith.constant 0 : i32
        %dma_wait3A_86 = tpu.memref_slice %arg9[%dma_wait3A_85] : memref<64000xf32, #tpu.memory_space<vmem_shared>> -> memref<64000xf32, #tpu.memory_space<vmem_shared>>
        tpu.wait_indirect_dma semaphore(%run_scoped3A_78 : memref<!tpu.dma_semaphore, #tpu.memory_space<semaphore_mem>>) src(%arg7 : memref<128xf32, #tpu.memory_space<vmem>>) dst(%dma_wait3A_86 : memref<64000xf32, #tpu.memory_space<vmem_shared>>)
        tpu.yield
      }) : () -> ()
      %run_scoped3A_77 = arith.constant 7 : i32
      "tpu.region"() ({
        %run_scoped3A_78 = tpu.sem_alloc : memref<!tpu.dma_semaphore, #tpu.memory_space<semaphore_mem>>
        %dma_start3A = arith.constant 0 : i32
        %dma_start3A_79 = tpu.memref_slice %arg6[%run_scoped3A_77, %dma_start3A] : memref<8x128xi32, #tpu.memory_space<vmem>> -> memref<1x128xi32, #tpu.memory_space<vmem>>
        %dma_start3A_80 = tpu.memref_squeeze %dma_start3A_79 : memref<1x128xi32, #tpu.memory_space<vmem>> -> memref<128xi32, #tpu.memory_space<vmem>>
        %dma_start3A_81 = arith.constant 0 : i32
        %dma_start3A_82 = tpu.memref_slice %arg9[%dma_start3A_81] : memref<64000xf32, #tpu.memory_space<vmem_shared>> -> memref<64000xf32, #tpu.memory_space<vmem_shared>>
        tpu.enqueue_indirect_dma source(%arg7 : memref<128xf32, #tpu.memory_space<vmem>>) target(%dma_start3A_82 : memref<64000xf32, #tpu.memory_space<vmem_shared>>) offsets(%dma_start3A_80 : memref<128xi32, #tpu.memory_space<vmem>>) semaphore(%run_scoped3A_78 : memref<!tpu.dma_semaphore, #tpu.memory_space<semaphore_mem>>)
        %dma_wait3A = arith.constant 0 : i32
        %dma_wait3A_83 = tpu.memref_slice %arg6[%run_scoped3A_77, %dma_wait3A] : memref<8x128xi32, #tpu.memory_space<vmem>> -> memref<1x128xi32, #tpu.memory_space<vmem>>
        %dma_wait3A_84 = tpu.memref_squeeze %dma_wait3A_83 : memref<1x128xi32, #tpu.memory_space<vmem>> -> memref<128xi32, #tpu.memory_space<vmem>>
        %dma_wait3A_85 = arith.constant 0 : i32
        %dma_wait3A_86 = tpu.memref_slice %arg9[%dma_wait3A_85] : memref<64000xf32, #tpu.memory_space<vmem_shared>> -> memref<64000xf32, #tpu.memory_space<vmem_shared>>
        tpu.wait_indirect_dma semaphore(%run_scoped3A_78 : memref<!tpu.dma_semaphore, #tpu.memory_space<semaphore_mem>>) src(%arg7 : memref<128xf32, #tpu.memory_space<vmem>>) dst(%dma_wait3A_86 : memref<64000xf32, #tpu.memory_space<vmem_shared>>)
        tpu.yield
      }) : () -> ()
    } else {
    }
    %barrier3A_60 = arith.constant 0 : index
    tpu.barrier barrier_id(%barrier3A_60)
    "tpu.region"() ({
      %run_scoped3A = tpu.sem_alloc : memref<!tpu.dma_semaphore, #tpu.memory_space<semaphore_mem>>
      %dma_start3A = tpu.memref_slice %arg9[%mul3A_0] : memref<64000xf32, #tpu.memory_space<vmem_shared>> -> memref<4000xf32, #tpu.memory_space<vmem_shared>>
      %dma_start3A_71 = tpu.memref_slice %arg9[%mul3A_0] : memref<64000xf32, #tpu.memory_space<vmem_shared>> -> memref<4000xf32, #tpu.memory_space<vmem_shared>>
      tpu.enqueue_dma source(%dma_start3A_71 : memref<4000xf32, #tpu.memory_space<vmem_shared>>) target(%arg8 : memref<4000xf32, #tpu.memory_space<vmem>>) target_semaphore(%run_scoped3A : memref<!tpu.dma_semaphore, #tpu.memory_space<semaphore_mem>>)
      %dma_wait3A = tpu.memref_slice %arg9[%mul3A_0] : memref<64000xf32, #tpu.memory_space<vmem_shared>> -> memref<4000xf32, #tpu.memory_space<vmem_shared>>
      %dma_wait3A_72 = tpu.memref_slice %arg9[%mul3A_0] : memref<64000xf32, #tpu.memory_space<vmem_shared>> -> memref<4000xf32, #tpu.memory_space<vmem_shared>>
      tpu.wait_dma2 semaphore(%run_scoped3A : memref<!tpu.dma_semaphore, #tpu.memory_space<semaphore_mem>>) src(%dma_wait3A_72 : memref<4000xf32, #tpu.memory_space<vmem_shared>>) dst(%arg8 : memref<4000xf32, #tpu.memory_space<vmem>>)
      tpu.yield
    }) : () -> ()
    %eq3A_61 = arith.constant 0 : i32
    %eq3A_62 = arith.cmpi eq, %arg0, %eq3A_61 : i32
    %convert_element_type3A_63 = arith.extui %eq3A_62 : i1 to i32
    %cond3A_64 = arith.constant 0 : i32
    %cond3A_65 = arith.cmpi ne, %convert_element_type3A_63, %cond3A_64 : i32
    scf.if %cond3A_65 {
      "tpu.region"() ({
        %run_scoped3A = tpu.sem_alloc : memref<!tpu.dma_semaphore, #tpu.memory_space<semaphore_mem>>
        %dma_start3A = tpu.memref_slice %arg4[%mul3A_0] : memref<64000xf32, #tpu.memory_space<hbm>> -> memref<4000xf32, #tpu.memory_space<hbm>>
        %dma_start3A_71 = tpu.memref_slice %arg4[%mul3A_0] : memref<64000xf32, #tpu.memory_space<hbm>> -> memref<4000xf32, #tpu.memory_space<hbm>>
        tpu.enqueue_dma source(%arg8 : memref<4000xf32, #tpu.memory_space<vmem>>) target(%dma_start3A_71 : memref<4000xf32, #tpu.memory_space<hbm>>) target_semaphore(%run_scoped3A : memref<!tpu.dma_semaphore, #tpu.memory_space<semaphore_mem>>)
        %dma_wait3A = tpu.memref_slice %arg4[%mul3A_0] : memref<64000xf32, #tpu.memory_space<hbm>> -> memref<4000xf32, #tpu.memory_space<hbm>>
        %dma_wait3A_72 = tpu.memref_slice %arg4[%mul3A_0] : memref<64000xf32, #tpu.memory_space<hbm>> -> memref<4000xf32, #tpu.memory_space<hbm>>
        tpu.wait_dma2 semaphore(%run_scoped3A : memref<!tpu.dma_semaphore, #tpu.memory_space<semaphore_mem>>) src(%arg8 : memref<4000xf32, #tpu.memory_space<vmem>>) dst(%dma_wait3A_72 : memref<4000xf32, #tpu.memory_space<hbm>>)
        tpu.yield
      }) : () -> ()
    } else {
    }
    %ne3A_66 = arith.constant 0 : i32
    %ne3A_67 = arith.cmpi ne, %arg0, %ne3A_66 : i32
    %convert_element_type3A_68 = arith.extui %ne3A_67 : i1 to i32
    %cond3A_69 = arith.constant 0 : i32
    %cond3A_70 = arith.cmpi ne, %convert_element_type3A_68, %cond3A_69 : i32
    scf.if %cond3A_70 {
      "tpu.region"() ({
        %run_scoped3A = tpu.sem_alloc : memref<!tpu.dma_semaphore, #tpu.memory_space<semaphore_mem>>
        %dma_start3A = tpu.memref_slice %arg5[%mul3A_0] : memref<64000xf32, #tpu.memory_space<hbm>> -> memref<4000xf32, #tpu.memory_space<hbm>>
        %dma_start3A_71 = tpu.memref_slice %arg5[%mul3A_0] : memref<64000xf32, #tpu.memory_space<hbm>> -> memref<4000xf32, #tpu.memory_space<hbm>>
        tpu.enqueue_dma source(%arg8 : memref<4000xf32, #tpu.memory_space<vmem>>) target(%dma_start3A_71 : memref<4000xf32, #tpu.memory_space<hbm>>) target_semaphore(%run_scoped3A : memref<!tpu.dma_semaphore, #tpu.memory_space<semaphore_mem>>)
        %dma_wait3A = tpu.memref_slice %arg5[%mul3A_0] : memref<64000xf32, #tpu.memory_space<hbm>> -> memref<4000xf32, #tpu.memory_space<hbm>>
        %dma_wait3A_72 = tpu.memref_slice %arg5[%mul3A_0] : memref<64000xf32, #tpu.memory_space<hbm>> -> memref<4000xf32, #tpu.memory_space<hbm>>
        tpu.wait_dma2 semaphore(%run_scoped3A : memref<!tpu.dma_semaphore, #tpu.memory_space<semaphore_mem>>) src(%arg8 : memref<4000xf32, #tpu.memory_space<vmem>>) dst(%dma_wait3A_72 : memref<4000xf32, #tpu.memory_space<hbm>>)
        tpu.yield
      }) : () -> ()
    } else {
    }
    return
  }
}

module attributes {stable_mosaic.version = 14 : i64} {
  func.func @_tc_out_body(%arg0: i32, %arg1: memref<7x2048xf32, #tpu.memory_space<vmem>>, %arg2: memref<7x768xf32, #tpu.memory_space<vmem>>, %arg3: memref<2048x768xf32, #tpu.memory_space<vmem>>) attributes {dimension_semantics = [#tpu.dimension_semantics<arbitrary>], iteration_bounds = array<i64: 8>, scalar_prefetch = 0 : i64, scratch_operands = 0 : i64, tpu.core_type = #tpu.core_type<tc>, window_params = [{transform_indices = @transform_0, window_bounds = array<i64: 7, 2048>}, {pipeline_mode = #tpu.pipeline_mode<synchronous>, transform_indices = @transform_1, window_bounds = array<i64: 7, 768>}, {transform_indices = @transform_2, window_bounds = array<i64: 2048, 768>}]} {
    %get3A = arith.constant 0 : index
    %get3A_0 = arith.constant 0 : index
    %get3A_1 = vector.load %arg1[%get3A, %get3A_0] : memref<7x2048xf32, #tpu.memory_space<vmem>>, vector<7x2048xf32>
    %get3A_2 = arith.constant 0 : index
    %get3A_3 = arith.constant 0 : index
    %get3A_4 = vector.load %arg2[%get3A_2, %get3A_3] : memref<7x768xf32, #tpu.memory_space<vmem>>, vector<7x768xf32>
    %dot_general3A = arith.constant dense<0.000000e+00> : vector<2048x768xf32>
    %dot_general3A_5 = tpu.matmul %get3A_1, %get3A_4, %dot_general3A {dimension_numbers = #tpu.dot_dimension_numbers<[0], [0], [1], [1], [0, 1, 1, 1], [], []>, transpose_lhs_hint = false} : vector<7x2048xf32>, vector<7x768xf32>, vector<2048x768xf32> -> vector<2048x768xf32>
    %swap3A = arith.constant 0 : index
    %swap3A_6 = arith.constant 0 : index
    %swap3A_7 = vector.load %arg3[%swap3A, %swap3A_6] : memref<2048x768xf32, #tpu.memory_space<vmem>>, vector<2048x768xf32>
    tpu.vector_store %arg3[%swap3A, %swap3A_6], %dot_general3A_5 {strides = array<i32>} : memref<2048x768xf32, #tpu.memory_space<vmem>>, vector<2048x768xf32>,
    return
  }
  func.func @transform_0(%arg0: i32) -> (i32, i32) {
    %c0_i32 = arith.constant 0 : i32
    %c0_i32_0 = arith.constant 0 : i32
    return %c0_i32, %arg0 : i32, i32
  }
  func.func @transform_1(%arg0: i32) -> (i32, i32) {
    %c0_i32 = arith.constant 0 : i32
    %c0_i32_0 = arith.constant 0 : i32
    %c0_i32_1 = arith.constant 0 : i32
    return %c0_i32, %c0_i32_0 : i32, i32
  }
  func.func @transform_2(%arg0: i32) -> (i32, i32) {
    %c0_i32 = arith.constant 0 : i32
    %c0_i32_0 = arith.constant 0 : i32
    return %arg0, %c0_i32 : i32, i32
  }
}

module attributes {stable_mosaic.version = 14 : i64} {
  func.func @_tc_quant_body(%arg0: i32, %arg1: memref<2048x768xf32, #tpu.memory_space<vmem>>, %arg2: memref<8x128xf32, #tpu.memory_space<vmem>>, %arg3: memref<6x768xf32, #tpu.memory_space<vmem>>, %arg4: memref<6xf32, #tpu.memory_space<smem>>, %arg5: memref<7x2048xf32, #tpu.memory_space<vmem>>, %arg6: memref<16x128xi32, #tpu.memory_space<vmem>>) attributes {dimension_semantics = [#tpu.dimension_semantics<arbitrary>], iteration_bounds = array<i64: 8>, scalar_prefetch = 0 : i64, scratch_operands = 0 : i64, tpu.core_type = #tpu.core_type<tc>, window_params = [{transform_indices = @transform_0, window_bounds = array<i64: 2048, 768>}, {pipeline_mode = #tpu.pipeline_mode<synchronous>, transform_indices = @transform_1, window_bounds = array<i64: 8, 128>}, {pipeline_mode = #tpu.pipeline_mode<synchronous>, transform_indices = @transform_2, window_bounds = array<i64: 6, 768>}, {transform_indices = @transform_3, window_bounds = array<i64: 6>}, {transform_indices = @transform_4, window_bounds = array<i64: 7, 2048>}, {transform_indices = @transform_5, window_bounds = array<i64: 16, 128>}]} {
    %get3A = arith.constant 0 : index
    %get3A_0 = arith.constant 0 : index
    %get3A_1 = vector.load %arg1[%get3A, %get3A_0] : memref<2048x768xf32, #tpu.memory_space<vmem>>, vector<2048x768xf32>
    %get3A_2 = arith.constant 0 : index
    %get3A_3 = arith.constant 0 : index
    %get3A_4 = vector.load %arg3[%get3A_2, %get3A_3] : memref<6x768xf32, #tpu.memory_space<vmem>>, vector<6x768xf32>
    %dot_general3A = arith.constant dense<0.000000e+00> : vector<6x2048xf32>
    %dot_general3A_5 = tpu.matmul %get3A_4, %get3A_1, %dot_general3A {dimension_numbers = #tpu.dot_dimension_numbers<[1], [1], [0], [0], [0, 0, 1, 0], [], []>, transpose_lhs_hint = false} : vector<6x768xf32>, vector<2048x768xf32>, vector<6x2048xf32> -> vector<6x2048xf32>
    %get3A_6 = arith.constant 0 : index
    %get3A_7 = arith.constant 0 : index
    %get3A_8 = vector.load %arg2[%get3A_6, %get3A_7] : memref<8x128xf32, #tpu.memory_space<vmem>>, vector<6x1xf32>
    %get3A_9 = arith.constant 0 : index
    %get3A_10 = arith.constant 1 : index
    %get3A_11 = vector.load %arg2[%get3A_9, %get3A_10] : memref<8x128xf32, #tpu.memory_space<vmem>>, vector<6x1xf32>
    %get3A_12 = arith.constant 0 : index
    %get3A_13 = arith.constant 2 : index
    %get3A_14 = vector.load %arg2[%get3A_12, %get3A_13] : memref<8x128xf32, #tpu.memory_space<vmem>>, vector<6x1xf32>
    %get3A_15 = arith.constant 0 : index
    %get3A_16 = arith.constant 3 : index
    %get3A_17 = vector.load %arg2[%get3A_15, %get3A_16] : memref<8x128xf32, #tpu.memory_space<vmem>>, vector<6x1xf32>
    %get3A_18 = arith.constant 0 : index
    %get3A_19 = arith.constant 4 : index
    %get3A_20 = vector.load %arg2[%get3A_18, %get3A_19] : memref<8x128xf32, #tpu.memory_space<vmem>>, vector<6x1xf32>
    %iota3A = tpu.iota {dimensions = array<i32: 0>} : vector<6x1xi32>
    %get3A_21 = arith.constant 0 : index
    %get3A_22 = memref.load %arg4[%get3A_21] : memref<6xf32, #tpu.memory_space<smem>>
    %broadcast_in_dim3A = arith.constant 0.000000e+00 : f32
    %broadcast_in_dim3A_23 = vector.broadcast %broadcast_in_dim3A : f32 to vector<6x1xf32>
    %add3A = vector.broadcast %get3A_22 : f32 to vector<6x1xf32>
    %add3A_24 = arith.addf %add3A, %broadcast_in_dim3A_23 : vector<6x1xf32>
    %eq3A = arith.constant 1 : i32
    %eq3A_25 = vector.broadcast %eq3A : i32 to vector<6x1xi32>
    %eq3A_26 = arith.cmpi eq, %iota3A, %eq3A_25 : vector<6x1xi32>
    %get3A_27 = arith.constant 1 : index
    %get3A_28 = memref.load %arg4[%get3A_27] : memref<6xf32, #tpu.memory_space<smem>>
    %broadcast_in_dim3A_29 = vector.broadcast %get3A_28 : f32 to vector<6x1xf32>
    %select_n3A = arith.select %eq3A_26, %broadcast_in_dim3A_29, %add3A_24 : vector<6x1xi1>, vector<6x1xf32>
    %eq3A_30 = arith.constant 2 : i32
    %eq3A_31 = vector.broadcast %eq3A_30 : i32 to vector<6x1xi32>
    %eq3A_32 = arith.cmpi eq, %iota3A, %eq3A_31 : vector<6x1xi32>
    %get3A_33 = arith.constant 2 : index
    %get3A_34 = memref.load %arg4[%get3A_33] : memref<6xf32, #tpu.memory_space<smem>>
    %broadcast_in_dim3A_35 = vector.broadcast %get3A_34 : f32 to vector<6x1xf32>
    %select_n3A_36 = arith.select %eq3A_32, %broadcast_in_dim3A_35, %select_n3A : vector<6x1xi1>, vector<6x1xf32>
    %eq3A_37 = arith.constant 3 : i32
    %eq3A_38 = vector.broadcast %eq3A_37 : i32 to vector<6x1xi32>
    %eq3A_39 = arith.cmpi eq, %iota3A, %eq3A_38 : vector<6x1xi32>
    %get3A_40 = arith.constant 3 : index
    %get3A_41 = memref.load %arg4[%get3A_40] : memref<6xf32, #tpu.memory_space<smem>>
    %broadcast_in_dim3A_42 = vector.broadcast %get3A_41 : f32 to vector<6x1xf32>
    %select_n3A_43 = arith.select %eq3A_39, %broadcast_in_dim3A_42, %select_n3A_36 : vector<6x1xi1>, vector<6x1xf32>
    %eq3A_44 = arith.constant 4 : i32
    %eq3A_45 = vector.broadcast %eq3A_44 : i32 to vector<6x1xi32>
    %eq3A_46 = arith.cmpi eq, %iota3A, %eq3A_45 : vector<6x1xi32>
    %get3A_47 = arith.constant 4 : index
    %get3A_48 = memref.load %arg4[%get3A_47] : memref<6xf32, #tpu.memory_space<smem>>
    %broadcast_in_dim3A_49 = vector.broadcast %get3A_48 : f32 to vector<6x1xf32>
    %select_n3A_50 = arith.select %eq3A_46, %broadcast_in_dim3A_49, %select_n3A_43 : vector<6x1xi1>, vector<6x1xf32>
    %eq3A_51 = arith.constant 5 : i32
    %eq3A_52 = vector.broadcast %eq3A_51 : i32 to vector<6x1xi32>
    %eq3A_53 = arith.cmpi eq, %iota3A, %eq3A_52 : vector<6x1xi32>
    %get3A_54 = arith.constant 5 : index
    %get3A_55 = memref.load %arg4[%get3A_54] : memref<6xf32, #tpu.memory_space<smem>>
    %broadcast_in_dim3A_56 = vector.broadcast %get3A_55 : f32 to vector<6x1xf32>
    %select_n3A_57 = arith.select %eq3A_53, %broadcast_in_dim3A_56, %select_n3A_50 : vector<6x1xi1>, vector<6x1xf32>
    %add3A_58 = arith.addf %select_n3A_57, %get3A_8 : vector<6x1xf32>
    %add3A_59 = vector.broadcast %add3A_58 : vector<6x1xf32> to vector<6x2048xf32>
    %add3A_60 = arith.addf %dot_general3A_5, %add3A_59 : vector<6x2048xf32>
    %tanh3A = math.tanh %add3A_60 : vector<6x2048xf32>
    %mul3A = vector.broadcast %get3A_11 : vector<6x1xf32> to vector<6x2048xf32>
    %mul3A_61 = arith.mulf %tanh3A, %mul3A : vector<6x2048xf32>
    %sub3A = vector.broadcast %get3A_14 : vector<6x1xf32> to vector<6x2048xf32>
    %sub3A_62 = arith.subf %mul3A_61, %sub3A : vector<6x2048xf32>
    %round3A = math.roundeven %sub3A_62 : vector<6x2048xf32>
    %mul3A_63 = vector.broadcast %get3A_20 : vector<6x1xf32> to vector<6x2048xf32>
    %mul3A_64 = arith.mulf %round3A, %mul3A_63 : vector<6x2048xf32>
    %broadcast_in_dim3A_65 = arith.constant 1.000000e+00 : f32
    %broadcast_in_dim3A_66 = vector.broadcast %broadcast_in_dim3A_65 : f32 to vector<1x2048xf32>
    %concatenate3A = tpu.concatenate %mul3A_64, %broadcast_in_dim3A_66 in 0 : vector<6x2048xf32>, vector<1x2048xf32> -> vector<7x2048xf32>
    %swap3A = arith.constant 0 : index
    %swap3A_67 = arith.constant 0 : index
    %swap3A_68 = vector.load %arg5[%swap3A, %swap3A_67] : memref<7x2048xf32, #tpu.memory_space<vmem>>, vector<7x2048xf32>
    tpu.vector_store %arg5[%swap3A, %swap3A_67], %concatenate3A {strides = array<i32>} : memref<7x2048xf32, #tpu.memory_space<vmem>>, vector<7x2048xf32>,
    %mul3A_69 = vector.broadcast %get3A_17 : vector<6x1xf32> to vector<6x2048xf32>
    %mul3A_70 = arith.mulf %mul3A_64, %mul3A_69 : vector<6x2048xf32>
    %reduce_sum3A = arith.constant dense<0.000000e+00> : vector<2048xf32>
    %reduce_sum3A_71 = vector.multi_reduction <add>, %mul3A_70, %reduce_sum3A [0] : vector<6x2048xf32> to vector<2048xf32>
    %broadcast_in_dim3A_72 = vector.shape_cast %reduce_sum3A_71 : vector<2048xf32> to vector<1x2048xf32>
    %add3A_73 = arith.constant 3.203600e+04 : f32
    %add3A_74 = vector.broadcast %add3A_73 : f32 to vector<1x2048xf32>
    %add3A_75 = arith.addf %broadcast_in_dim3A_72, %add3A_74 : vector<1x2048xf32>
    %convert_element_type3A = arith.fptosi %add3A_75 : vector<1x2048xf32> to vector<1x2048xi32>
    %reshape3A = vector.shape_cast %convert_element_type3A : vector<1x2048xi32> to vector<16x128xi32>
    %swap3A_76 = arith.constant 0 : index
    %swap3A_77 = arith.constant 0 : index
    %swap3A_78 = vector.load %arg6[%swap3A_76, %swap3A_77] : memref<16x128xi32, #tpu.memory_space<vmem>>, vector<16x128xi32>
    tpu.vector_store %arg6[%swap3A_76, %swap3A_77], %reshape3A {strides = array<i32>} : memref<16x128xi32, #tpu.memory_space<vmem>>, vector<16x128xi32>,
    return
  }
  func.func @transform_0(%arg0: i32) -> (i32, i32) {
    %c0_i32 = arith.constant 0 : i32
    %c0_i32_0 = arith.constant 0 : i32
    return %arg0, %c0_i32 : i32, i32
  }
  func.func @transform_1(%arg0: i32) -> (i32, i32) {
    %c0_i32 = arith.constant 0 : i32
    %c0_i32_0 = arith.constant 0 : i32
    %c0_i32_1 = arith.constant 0 : i32
    return %c0_i32, %c0_i32_0 : i32, i32
  }
  func.func @transform_2(%arg0: i32) -> (i32, i32) {
    %c0_i32 = arith.constant 0 : i32
    %c0_i32_0 = arith.constant 0 : i32
    %c0_i32_1 = arith.constant 0 : i32
    return %c0_i32, %c0_i32_0 : i32, i32
  }
  func.func @transform_3(%arg0: i32) -> i32 {
    %c0_i32 = arith.constant 0 : i32
    %c0_i32_0 = arith.constant 0 : i32
    return %c0_i32 : i32
  }
  func.func @transform_4(%arg0: i32) -> (i32, i32) {
    %c0_i32 = arith.constant 0 : i32
    %c0_i32_0 = arith.constant 0 : i32
    return %c0_i32, %arg0 : i32, i32
  }
  func.func @transform_5(%arg0: i32) -> (i32, i32) {
    %c0_i32 = arith.constant 0 : i32
    %c0_i32_0 = arith.constant 0 : i32
    return %arg0, %c0_i32 : i32, i32
  }
}

</mosaic_0001>

<sc_bundles>
// kernel: kernel.5.cloned.1.call-start
scs
__scs_entry_jumppad:
0x0: {  	(pc) =	sbr.rel $0x88, $3  }
0x1: {  	(tag) =	ssettag $0x0;
	lr =	simm.s32 $0x1  }
0x2: {  	[smem:$0x3F9B] =	sst lr;
	_ =	strace $0xD0000000  }
0x3: {  	_ = 	snop  }
0x4: {  	_ = 	snop  }
0x5: {  	_ = 	snop  }
0x6: {  	_ = 	snop  }
0x7: {  	_ = 	snop  }
__scs_overlays_trampoline_lowered:
0x8: {  	[smem:$0x3FAA] =	sst s0  }
0x9: {  	[smem:$0x3FAB] =	sst s1  }
0xa: {  	[smem:$0x3FAC] =	sst s2  }
0xb: {  	[smem:$0x3FAD] =	sst s3  }
0xc: {  	[smem:$0x3FAE] =	sst s4  }
0xd: {  	[smem:$0x3FAF] =	sst s5  }
0xe: {  	[smem:$0x3FB0] =	sst s6  }
0xf: {  	[smem:$0x3FB1] =	sst s7  }
0x10: {  	[smem:$0x3FB2] =	sst s8  }
0x11: {  	[smem:$0x3FB3] =	sst s9;
	s0 =	simm.s32 @!p0 $0x0  }
0x12: {  	s1 =	sld [smem:$0x3F99];
	s0 =	simm.s32 @p0 $0x1  }
0x13: {  	[smem:$0x3FB4] =	sst s0;
	s0 =	simm.s32 @!p1 $0x0  }
0x14: {  	s2 =	sld [smem:$0x3F98];
	s0 =	simm.s32 @p1 $0x1  }
0x15: {  	[smem:$0x3FB5] =	sst s0;
	s0 =	simm.s32 @!p2 $0x0  }
0x16: {  	s3 =	sld [smem:$0x3FDB];
	s0 =	simm.s32 @p2 $0x1  }
0x17: {  	s4 =	simm.s32 $0x1BF5;
	[smem:$0x3FB7] =	sst s0  }
0x18: {  	s0 =	sld [smem:$0x3F9A];
	_ =	swait.ge [sflag:s4], $0x0  }
0x19: {  	s7 =	sld [smem:$0x3F9B]  }
0x1a: {  	s8 =	sadd.s32 $0xFFFFE003, lr  }
0x1b: {  	s9 =	sadd.s32 $0xFFFFFEF7, lr;
	s5 =	simm.s32 $0xFFFFFFFF;
	p2 =	slt.u32 s8, $0xFFFFF086  }
0x1c: {  	p1 =	slt.u32 s9, $0xF7A;
	s5 =	simm.s32 @!p2 $0x0  }
0x1d: {  	s5 =	simm.s32 @p1 $0x1;
	p0 =	seq.s32 s7, s2  }
0x1e: {  	s7 =	smul.u32 @!p0 $0xF7A, s2;
	p2 =	seq.s32 @!p0 s5, $0x0  }
0x1f: {  	s9 =	smul.u32 $0xF7A, s1;
	s8 =	simm.s32 @!p0 $0x1BF5;
	p2 =	por !p2, p0  }
0x20: {  	[sflag:s8] =	ssyncset.s32 @!p0 $0xFFFFF086;
	s6 =	sadd.s32 @!p0 s3, s7;
	s7 =	simm.s32 @!p0 $0x108  }
0x21: {  	s3 =	sadd.s32 s3, s9;
	s6 =	sadd.s32 @!p0 $0x88, s6;
	s7 =	simm.s32 @p2 $0x1082  }
0x22: {  	[simem:s7], [sflag:s8] =	dma.local @!p0 [hbm:s6], $0xF7A  }
0x23: {  	s9 =	sor.u32 $0xD0000000, s2;
	s6 =	simm.s32 $0x108;
	_ =	swait.ge @!p0 [sflag:s8], $0x0  }
0x24: {  	s3 =	sadd.s32 $0x88, s3;
	s6 =	simm.s32 @!p1 $0x1082;
	[sflag:s4] =	ssyncset.s32 $0xFFFFF086  }
0x25: {  	[simem:s6], [sflag:s4] =	dma.local [hbm:s3], $0xF7A  }
0x26: {  	[smem:$0x3F9B] =	sst s1;
	(tag) =	ssettag s2;
	_ =	strace s9  }
0x27: {  	s1 =	sld [smem:$0x3FAB]  }
0x28: {  	s2 =	sld [smem:$0x3FAC]  }
0x29: {  	s4 =	sld [smem:$0x3FAE]  }
0x2a: {  	p0 =	seq.s32 s5, $0x0;
	s5 =	sld [smem:$0x3FAF]  }
0x2b: {  	s6 =	sld [smem:$0x3FB0]  }
0x2c: {  	s7 =	sld [smem:$0x3FB1]  }
0x2d: {  	s3 =	simm.s32 $0x108;
	s8 =	sld [smem:$0x3FB2]  }
0x2e: {  	s3 =	simm.s32 @!p0 $0x1082;
	s9 =	sld [smem:$0x3FB3]  }
0x2f: {  	lr =	sadd.s32 s0, s3;
	s0 =	sld [smem:$0x3FAA]  }
0x30: {  	s3 =	sld [smem:$0x3FAD]  }
0x31: {  	[smem:$0x3FB6] =	sst s10  }
0x32: {  	s10 =	sld [smem:$0x3FB4];
	_ =	sdelay $0x3  }
0x33: {  	p0 =	seq.s32 s10, $0x1;
	s10 =	sld [smem:$0x3FB6];
	_ =	sdelay $0x3  }
0x34: {  	[smem:$0x3FB6] =	sst s10  }
0x35: {  	s10 =	sld [smem:$0x3FB5];
	_ =	sdelay $0x3  }
0x36: {  	p1 =	seq.s32 s10, $0x1;
	s10 =	sld [smem:$0x3FB6];
	_ =	sdelay $0x3  }
0x37: {  	[smem:$0x3FB6] =	sst s10  }
0x38: {  	s10 =	sld [smem:$0x3FB7]  }
0x39: {  	_ = 	snop;
	(pc) =	sbr.ind lr, $3  }
0x3a: {  	_ = 	snop  }
0x3b: {  	_ = 	snop  }
0x3c: {  	p2 =	seq.s32 s10, $0x1;
	s10 =	sld [smem:$0x3FB6]  }
0x3d: {  	_ =	shalt  }
0x3e: {  	_ =	shalt  }
0x3f: {  	_ =	shalt  }
0x40: {  	_ =	shalt  }
0x41: {  	_ =	shalt  }
0x42: {  	_ =	shalt  }
0x43: {  	_ =	shalt  }
0x44: {  	_ =	shalt  }
0x45: {  	_ =	shalt  }
0x46: {  	_ =	shalt  }
0x47: {  	_ =	shalt  }
0x48: {  	_ =	shalt  }
0x49: {  	_ =	shalt  }
0x4a: {  	_ =	shalt  }
0x4b: {  	_ =	shalt  }
0x4c: {  	_ =	shalt  }
0x4d: {  	_ =	shalt  }
0x4e: {  	_ =	shalt  }
0x4f: {  	_ =	shalt  }
0x50: {  	_ =	shalt  }
0x51: {  	_ =	shalt  }
0x52: {  	_ =	shalt  }
0x53: {  	_ =	shalt  }
0x54: {  	_ =	shalt  }
0x55: {  	_ =	shalt  }
0x56: {  	_ =	shalt  }
0x57: {  	_ =	shalt  }
0x58: {  	_ =	shalt  }
0x59: {  	_ =	shalt  }
0x5a: {  	_ =	shalt  }
0x5b: {  	_ =	shalt  }
0x5c: {  	_ =	shalt  }
0x5d: {  	_ =	shalt  }
0x5e: {  	_ =	shalt  }
0x5f: {  	_ =	shalt  }
0x60: {  	_ =	shalt  }
0x61: {  	_ =	shalt  }
0x62: {  	_ =	shalt  }
0x63: {  	_ =	shalt  }
0x64: {  	_ =	shalt  }
0x65: {  	_ =	shalt  }
0x66: {  	_ =	shalt  }
0x67: {  	_ =	shalt  }
0x68: {  	_ =	shalt  }
0x69: {  	_ =	shalt  }
0x6a: {  	_ =	shalt  }
0x6b: {  	_ =	shalt  }
0x6c: {  	_ =	shalt  }
0x6d: {  	_ =	shalt  }
0x6e: {  	_ =	shalt  }
0x6f: {  	_ =	shalt  }
0x70: {  	_ =	shalt  }
0x71: {  	_ =	shalt  }
0x72: {  	_ =	shalt  }
0x73: {  	_ =	shalt  }
0x74: {  	_ =	shalt  }
0x75: {  	_ =	shalt  }
0x76: {  	_ =	shalt  }
0x77: {  	_ =	shalt  }
0x78: {  	_ =	shalt  }
0x79: {  	_ =	shalt  }
0x7a: {  	_ =	shalt  }
0x7b: {  	_ =	shalt  }
0x7c: {  	_ =	shalt  }
0x7d: {  	_ =	shalt  }
0x7e: {  	_ =	shalt  }
0x7f: {  	_ =	shalt  }
0x80: {  	_ =	shalt  }
0x81: {  	_ =	shalt  }
0x82: {  	_ =	shalt  }
0x83: {  	_ =	shalt  }
0x84: {  	_ =	shalt  }
0x85: {  	_ =	shalt  }
0x86: {  	_ =	shalt  }
0x87: {  	_ =	shalt  }
.Lfunc_end0:
.L_simem_size_0:
called_computation_lowered:
.L_overlay_start_0:
0x88: {  	s2 =	sld [smem:$0x3FD9]  }
0x89: {  	s3 =	sld [smem:$0x3FFE];
	_ =	sdelay $0x1  }
0x8a: {  	s1 =	srdreg.scid  }
0x8b: {  	s0 =	sand.u32 $0x1, s1  }
0x8c: {  	s14 =	sshll.u32 s0, $0xA;
	s2 =	sadd.s32 s3, s2  }
0x8d: {  	s2 =	sadd.s32 s2, s14  }
0x8e: {  	[smem:$0x3FC2] =	sst s2  }
0x8f: {  	_ = 	snop  }
0x90: {  	s2 =	sld [smem:$0x3FD0];
	_ =	sdelay $0x2  }
0x91: {  	s4 =	simm.s32 $0xA;
	s5 =	simm.s32 $0x10;
	s15 =	sld [smem:$0x3FC8]  }
0x92: {  	[smem:s5], [sflag:s4] =	dma.local [hbm:s2], $0x1  }
0x93: {  	_ =	swait.eq [sflag:s4], $0x1  }
0x94: {  	[sflag:s4] =	ssyncset.done $0x0  }
0x95: {  	s16 =	sld [smem:$0x13];
	[sflag:s4] =	ssyncadd.s32 $0xFFFFFFFF  }
0x96: {  	s17 =	sld [smem:$0x14];
	(tm) =	ssettm $0x1  }
0x97: {  	s18 =	sld [smem:$0x3FFB];
	_ =	sdelay $0x3  }
0x98: {  	_ =	strace s18  }
0x99: {  	s5 =	sld [smem:$0x3FFC];
	_ =	sdelay $0x3  }
0x9a: {  	_ =	strace s5  }
0x9b: {  	s5 =	sld [smem:$0x3FFD];
	_ =	sdelay $0x3  }
0x9c: {  	_ =	strace s5  }
0x9d: {  	_ =	strace $0x8FFFFFFF  }
0x9e: {  	s19 =	sld [smem:$0x3FDB];
	_ =	sdelay $0x1  }
0x9f: {  	s6 =	simm.s32 $_scs_section_size  }
0xa0: {  	s7 =	simm.s32 $_size__tile_overlayer_lowered;
	s8 =	simm.s32 $_tile_overlayer_lowered  }
0xa1: {  	s22 =	simm.s32 $0x1BFF;
	s21 =	sshll.u32 s8, $0x1;
	s5 =	sadd.s32 s6, s19  }
0xa2: {  	s9 =	simm.s32 $0x0;
	s20 =	sshll.u32 s7, $0x1;
	s7 =	sadd.s32 s21, s5  }
0xa3: {  	[timem:s9], [sflag:s22] =	dma.local [hbm:s7], s20  }
0xa4: {  	_ =	swait.ge [sflag:s22], s20  }
0xa5: {  	s6 =	ssub.s32 $0x0, s20;
	[sflag:s22] =	ssyncset.done $0x0  }
0xa6: {  	[sflag:s22] =	ssyncadd.s32 s6;
	_ =	sdelay $0x1  }
0xa7: {  	s23 =	simm.s32 $0x1B8B  }
0xa8: {  	_ =	swait.ge [sflag:s23], $0x1  }
0xa9: {  	[sflag:s23] =	ssyncset.done $0x0  }
0xaa: {  	s25 =	simm.s32 $0x1B8E;
	s24 =	sld [smem:$0x3FFE];
	[sflag:s23] =	ssyncadd.s32 $0xFFFFFFFF  }
0xab: {  	s26 =	simm.s32 $execute0_lowered;
	[smem:$0x3FD2] =	sst s25  }
0xac: {  	s7 =	sshll.u32 s26, $0x1;
	_ =	strace $0x80000046;
	[dreg:$0x1] =	wrdreg $0xFFFFFFFF  }
0xad: {  	s28 =	simm.s32 $_size_execute0_lowered;
	s5 =	sadd.s32 s5, s7;
	[dreg:$0x0] =	wrdreg $0x0  }
0xae: {  	s7 =	sshll.u32 s28, $0x1;
	[dreg:$0x2] =	wrdreg s5  }
0xaf: {  	[dreg:$0x3] =	wrdreg s7  }
0xb0: {  	[dreg:$0x4] =	wrdreg $0xC0  }
0xb1: {  	_ =	task [dreg:s9], $0x5FFFF  }
0xb2: {  	[dreg:$0x1] =	wrdreg $0xFFFFFFFF  }
0xb3: {  	[dreg:$0x0] =	wrdreg $0x60  }
0xb4: {  	[dreg:$0x2] =	wrdreg s24  }
0xb5: {  	[dreg:$0x3] =	wrdreg s15  }
0xb6: {  	[dreg:$0x4] =	wrdreg s17  }
0xb7: {  	[dreg:$0x5] =	wrdreg s16  }
0xb8: {  	[dreg:$0x6] =	wrdreg $0x14800  }
0xb9: {  	[dreg:$0x7] =	wrdreg $0x9  }
0xba: {  	_ =	task.clear_ibuf [dreg:s9], $0x8FFFF;
	_ =	strace $0x90000046  }
0xbb: {  	s29 =	simm.s32 $0x9;
	_ =	strace $0x80000048  }
0xbc: {  	_ =	swait.ge [sflag:s29], $0x1  }
0xbd: {  	[sflag:s29] =	ssyncadd.s32 $0xFFFFFFFF  }
0xbe: {  	_ =	strace $0x90000048  }
0xbf: {  	_ =	sfence  }
0xc0: {  	s30 =	sld [smem:$0x0];
	_ =	sdelay $0x2  }
0xc1: {  	s31 =	sshll.u32 s1, $0xD;
	s1 =	sshrl.u32 s1, $0x2  }
0xc2: {  	s3 =	sand.u32 $0x4000, s31;
	s1 =	sadd.s32 s1, s30  }
0xc3: {  	s0 =	sor.u32 s3, s0;
	s1 =	sshll.u32 s1, $0x11  }
0xc4: {  	s0 =	sor.u32 s1, s0  }
0xc5: {  	s0 =	sadd.s32 $0x8F2B, s0  }
0xc6: {  	[sflag:s0] =	ssyncadd.remote.s32 $0x1  }
0xc7: {  	_ =	sfence.sel $0xFFFF  }
0xc8: {  	[dreg:$0x0] =	wrdreg $0xFFFFFFFF;
	(pc) =	sbr.abs _section_cstart, $3  }
0xc9: {  	[dreg:$0x1] =	wrdreg $0xFFFFFFFF  }
0xca: {  	_ =	task.clear_ibuf [dreg:s9], $0x2FFFF;
	_ =	strace $0x9FFFFFFF  }
0xcb: {  	(tm) =	ssettm $0x7FFFFFFF  }
tec
execute0_lowered:
.L_overlay_start_1:
0x0: {  	(tag) =	ssettag $0x1  }
0x1: {  	s4 =	rddreg [dreg:$0x0]  }
0x2: {  	s5 =	rddreg [dreg:$0x1]  }
0x3: {  	s10 =	rddreg [dreg:$0x2]  }
0x4: {  	s9 =	rddreg [dreg:$0x3]  }
0x5: {  	s1 =	rddreg [dreg:$0x4]  }
0x6: {  	s0 =	rddreg [dreg:$0x5]  }
0x7: {  	s3 =	simm.s32 $0x0;
	s6 =	srdreg.scid;
	s2 =	stileid.u32  }
0x8: {  	s12 =	simm.f32 $1.000000000e+00;
	[smem:$0x7FF] =	sst s3;
	s7 =	sand.u32 $0x1, s6  }
0x9: {  	s30 =	sshll.u32 s2, $0x7;
	s11 =	smul.u32 $0xFA0, s2;
	_ =	strace $0x80000047  }
0xa: {  	s8 =	ssub.s32 $0x2, s7;
	s4 =	sadd.s32 s30, s4;
	p0 =	seq.s32 s7, $0x0  }
.Ltmp0:
0xb: {  	s31 =	sshrl.u32 s8, $0x1;
	s4 =	sadd.s32 $0x1600, s4;
	(pc) =	sbr.rel .LBB2_1-.Ltmp0, $4  }
0xc: {  	s12 =	simm.s32 @!p0 $0x0;
	s13 =	sshrl.u32 s11, $0x3;
	s6 =	sadd.s32 s11, s1  }
0xd: {  	p0 =	sne.s32 s7, $0x0;
	s11 =	simm.s32 $0x0;
	s8 =	ssub.s32 s8, s31  }
0xe: {  	s5 =	sadd.s32 s5, s13;
	s10 =	smov.u32 @p0 s9;
	s9 =	simm.s32 $0x480  }
0xf: {  	v1 =	vimm.f32 $0.0e+00;
	v0 =	vmov s12;
	s7 =	smax.u32 s8, $0x1;
	s8 =	simm.s32 $0x1;
	s10 =	sadd.s32 s10, s13  }
.LBB2_7:
0x10: {  	v2 =	vld [tilespmem:s12+$0x480];
	_ =	sdelay $0x4  }
0x11: {  	v2 =	vadd.f32 $1.000000000e+00, v2;
	_ =	sdelay $0x1  }
0x12: {  	[tilespmem:s12+$0x480] =	vst v2  }
.LBB2_8:
0x13: {  	[spmem:s6] =	stream.linear.scatter [tilespmem:s9], [sflag:$0x1], $0xFA0, $0x38;
	[tilespmem:$0x2420] =	vst v63  }
0x14: {  	_ =	swait.ge [sflag:s8], $0xFA0  }
0x15: {  	[sflag:s8] =	ssyncset.done $0x0  }
0x16: {  	s12 =	simm.s32 @p0 $0x80;
	[sflag:s8] =	ssyncadd.s32 $0xFFFFF060  }
0x17: {  	s13 =	simm.s32 @p0 $0x0;
	s14 =	simm.s32 @p0 $0x400;
	[bflag:$0x0] =	sbarrier.arrive $0xFFFF  }
0x18: {  	[spmem:s1] =	stream.indirect.scatter @p0 [tilespmem:s14], [sflag:$0x1], $0x1, s13, s12, $0xb8;
	[tilespmem:$0x2420] =	vst v63  }
0x19: {  	s13 =	simm.s32 @p0 $0x1  }
0x1a: {  	_ =	swait.ge @p0 [sflag:s13], $0x80  }
0x1b: {  	[sflag:s13] =	ssyncset.done @p0 $0x0  }
0x1c: {  	[sflag:s13] =	ssyncadd.s32 @p0 $0xFFFFFF80  }
0x1d: {  	[spmem:s1] =	stream.indirect.scatter @p0 [tilespmem:s14], [sflag:$0x1], $0x1, s12, s12, $0xb8;
	[tilespmem:$0x2420] =	vst v63  }
0x1e: {  	_ =	swait.ge @p0 [sflag:s13], $0x80  }
0x1f: {  	[sflag:s13] =	ssyncset.done @p0 $0x0  }
0x20: {  	s15 =	simm.s32 @p0 $0x100;
	[sflag:s13] =	ssyncadd.s32 @p0 $0xFFFFFF80  }
0x21: {  	[spmem:s1] =	stream.indirect.scatter @p0 [tilespmem:s14], [sflag:$0x1], $0x1, s15, s12, $0xb8;
	[tilespmem:$0x2420] =	vst v63  }
0x22: {  	_ =	swait.ge @p0 [sflag:s13], $0x80  }
0x23: {  	[sflag:s13] =	ssyncset.done @p0 $0x0  }
0x24: {  	s15 =	simm.s32 @p0 $0x180;
	[sflag:s13] =	ssyncadd.s32 @p0 $0xFFFFFF80  }
0x25: {  	[spmem:s1] =	stream.indirect.scatter @p0 [tilespmem:s14], [sflag:$0x1], $0x1, s15, s12, $0xb8;
	[tilespmem:$0x2420] =	vst v63  }
0x26: {  	_ =	swait.ge @p0 [sflag:s13], $0x80  }
0x27: {  	[sflag:s13] =	ssyncset.done @p0 $0x0  }
0x28: {  	s15 =	simm.s32 @p0 $0x200;
	[sflag:s13] =	ssyncadd.s32 @p0 $0xFFFFFF80  }
0x29: {  	[spmem:s1] =	stream.indirect.scatter @p0 [tilespmem:s14], [sflag:$0x1], $0x1, s15, s12, $0xb8;
	[tilespmem:$0x2420] =	vst v63  }
0x2a: {  	_ =	swait.ge @p0 [sflag:s13], $0x80  }
0x2b: {  	[sflag:s13] =	ssyncset.done @p0 $0x0  }
0x2c: {  	s15 =	simm.s32 @p0 $0x280;
	[sflag:s13] =	ssyncadd.s32 @p0 $0xFFFFFF80  }
0x2d: {  	[spmem:s1] =	stream.indirect.scatter @p0 [tilespmem:s14], [sflag:$0x1], $0x1, s15, s12, $0xb8;
	[tilespmem:$0x2420] =	vst v63  }
0x2e: {  	_ =	swait.ge @p0 [sflag:s13], $0x80  }
0x2f: {  	[sflag:s13] =	ssyncset.done @p0 $0x0  }
0x30: {  	s15 =	simm.s32 @p0 $0x300;
	[sflag:s13] =	ssyncadd.s32 @p0 $0xFFFFFF80  }
0x31: {  	[spmem:s1] =	stream.indirect.scatter @p0 [tilespmem:s14], [sflag:$0x1], $0x1, s15, s12, $0xb8;
	[tilespmem:$0x2420] =	vst v63  }
0x32: {  	_ =	swait.ge @p0 [sflag:s13], $0x80  }
0x33: {  	[sflag:s13] =	ssyncset.done @p0 $0x0  }
0x34: {  	[sflag:s13] =	ssyncadd.s32 @p0 $0xFFFFFF80;
	s13 =	simm.s32 @p0 $0x380  }
0x35: {  	[spmem:s1] =	stream.indirect.scatter @p0 [tilespmem:s14], [sflag:$0x1], $0x1, s13, s12, $0xb8;
	[tilespmem:$0x2420] =	vst v63  }
0x36: {  	s12 =	simm.s32 @!p0 $0x80;
	s13 =	simm.s32 @!p0 $0x0;
	s14 =	simm.s32 @!p0 $0x400  }
0x37: {  	[spmem:s1] =	stream.indirect.scatter.add.f32 @!p0 [tilespmem:s14], [sflag:$0x1], $0x1, s13, s12, $0xb8;
	[tilespmem:$0x2420] =	vst v63  }
0x38: {  	s13 =	simm.s32 @!p0 $0x1  }
0x39: {  	_ =	swait.ge @!p0 [sflag:s13], $0x80  }
0x3a: {  	[sflag:s13] =	ssyncset.done @!p0 $0x0  }
0x3b: {  	[sflag:s13] =	ssyncadd.s32 @!p0 $0xFFFFFF80  }
0x3c: {  	[spmem:s1] =	stream.indirect.scatter.add.f32 @!p0 [tilespmem:s14], [sflag:$0x1], $0x1, s12, s12, $0xb8;
	[tilespmem:$0x2420] =	vst v63  }
0x3d: {  	_ =	swait.ge @!p0 [sflag:s13], $0x80  }
0x3e: {  	[sflag:s13] =	ssyncset.done @!p0 $0x0  }
0x3f: {  	s15 =	simm.s32 @!p0 $0x100;
	[sflag:s13] =	ssyncadd.s32 @!p0 $0xFFFFFF80  }
0x40: {  	[spmem:s1] =	stream.indirect.scatter.add.f32 @!p0 [tilespmem:s14], [sflag:$0x1], $0x1, s15, s12, $0xb8;
	[tilespmem:$0x2420] =	vst v63  }
0x41: {  	_ =	swait.ge @!p0 [sflag:s13], $0x80  }
0x42: {  	[sflag:s13] =	ssyncset.done @!p0 $0x0  }
0x43: {  	s15 =	simm.s32 @!p0 $0x180;
	[sflag:s13] =	ssyncadd.s32 @!p0 $0xFFFFFF80  }
0x44: {  	[spmem:s1] =	stream.indirect.scatter.add.f32 @!p0 [tilespmem:s14], [sflag:$0x1], $0x1, s15, s12, $0xb8;
	[tilespmem:$0x2420] =	vst v63  }
0x45: {  	_ =	swait.ge @!p0 [sflag:s13], $0x80  }
0x46: {  	[sflag:s13] =	ssyncset.done @!p0 $0x0  }
0x47: {  	s15 =	simm.s32 @!p0 $0x200;
	[sflag:s13] =	ssyncadd.s32 @!p0 $0xFFFFFF80  }
0x48: {  	[spmem:s1] =	stream.indirect.scatter.add.f32 @!p0 [tilespmem:s14], [sflag:$0x1], $0x1, s15, s12, $0xb8;
	[tilespmem:$0x2420] =	vst v63  }
0x49: {  	_ =	swait.ge @!p0 [sflag:s13], $0x80  }
0x4a: {  	[sflag:s13] =	ssyncset.done @!p0 $0x0  }
0x4b: {  	s15 =	simm.s32 @!p0 $0x280;
	[sflag:s13] =	ssyncadd.s32 @!p0 $0xFFFFFF80  }
0x4c: {  	[spmem:s1] =	stream.indirect.scatter.add.f32 @!p0 [tilespmem:s14], [sflag:$0x1], $0x1, s15, s12, $0xb8;
	[tilespmem:$0x2420] =	vst v63  }
0x4d: {  	_ =	swait.ge @!p0 [sflag:s13], $0x80  }
0x4e: {  	[sflag:s13] =	ssyncset.done @!p0 $0x0  }
0x4f: {  	s15 =	simm.s32 @!p0 $0x300;
	[sflag:s13] =	ssyncadd.s32 @!p0 $0xFFFFFF80  }
0x50: {  	[spmem:s1] =	stream.indirect.scatter.add.f32 @!p0 [tilespmem:s14], [sflag:$0x1], $0x1, s15, s12, $0xb8;
	[tilespmem:$0x2420] =	vst v63  }
0x51: {  	_ =	swait.ge @!p0 [sflag:s13], $0x80  }
0x52: {  	[sflag:s13] =	ssyncset.done @!p0 $0x0  }
0x53: {  	[sflag:s13] =	ssyncadd.s32 @!p0 $0xFFFFFF80;
	s13 =	simm.s32 @!p0 $0x380  }
0x54: {  	[spmem:s1] =	stream.indirect.scatter.add.f32 @!p0 [tilespmem:s14], [sflag:$0x1], $0x1, s13, s12, $0xb8;
	[tilespmem:$0x2420] =	vst v63  }
0x55: {  	_ =	swait.ge [sflag:s8], $0x80  }
0x56: {  	[sflag:s8] =	ssyncset.done $0x0  }
0x57: {  	[sflag:s8] =	ssyncadd.s32 $0xFFFFFF80  }
0x58: {  	[bflag:$0x0] =	sbarrier.arrive $0xFFFF  }
0x59: {  	[tilespmem:s9], [sflag:$0x1] =	stream.linear.gather [spmem:s6], $0xFA0, $0x38;
	[tilespmem:$0x2420] =	vst v63  }
0x5a: {  	s11 =	sadd.s32 $0x1, s11;
	_ =	swait.ge [sflag:s8], $0xFA0  }
0x5b: {  	p1 =	sne.s32 s11, s7;
	[sflag:s8] =	ssyncset.done $0x0  }
.Ltmp1:
0x5c: {  	[sflag:s8] =	ssyncadd.s32 $0xFFFFF060;
	(pc) =	sbr.rel @!p1 .LBB2_9-.Ltmp1, $4  }
0x5d: {  	[hbm4b:s10+s3] =	stream.linear.scatter [tilespmem:s9], [sflag:$0x1], $0xFA0, $0x38;
	[tilespmem:$0x2420] =	vst v63  }
0x5e: {  	_ =	swait.ge [sflag:s8], $0xFA0  }
0x5f: {  	[sflag:s8] =	ssyncset.done $0x0  }
0x60: {  	[sflag:s8] =	ssyncadd.s32 $0xFFFFF060  }
.LBB2_1:
0x61: {  	[tilespmem:s3], [sflag:$0x1] =	stream.linear.gather [hbm4b:s4+s3], $0x400, $0x38;
	[tilespmem:$0x2420] =	vst v63  }
0x62: {  	_ =	swait.ge [sflag:s8], $0x400  }
0x63: {  	[sflag:s8] =	ssyncset.done $0x0  }
0x64: {  	[sflag:s8] =	ssyncadd.s32 $0xFFFFFC00  }
0x65: {  	[tilespmem:$0x400] =	vst v0  }
0x66: {  	[tilespmem:$0x410] =	vst v0  }
0x67: {  	[tilespmem:$0x420] =	vst v0  }
.Ltmp2:
0x68: {  	[tilespmem:$0x430] =	vst v0;
	(pc) =	sbr.rel @p0 .LBB2_5-.Ltmp2, $4  }
0x69: {  	[tilespmem:$0x440] =	vst v0  }
0x6a: {  	[tilespmem:$0x450] =	vst v0  }
0x6b: {  	[tilespmem:$0x460] =	vst v0  }
0x6c: {  	[tilespmem:$0x470] =	vst v0  }
0x6d: {  	s12 =	simm.s32 $0x40;
	s13 =	simm.s32 $0x0  }
.LBB2_3:
0x6e: {  	p1 =	seq.s32 s12, $0x3E40;
	[tilespmem:s13+$0x480] =	vst v1;
	s13 =	smov.u32 s12;
	s12 =	sadd.s32 $0x40, s12  }
.Ltmp3:
0x6f: {  	(pc) =	sbr.rel @!p1 .LBB2_3-.Ltmp3, $2  }
0x70: {  	_ =	sdelay $0x2  }
0x71: {  	s13 =	sshra.s32 s13, $0x2  }
.Ltmp4:
0x72: {  	(pc) =	sbr.rel .LBB2_8-.Ltmp4, $2  }
0x73: {  	_ =	sdelay $0x2  }
0x74: {  	[tilespmem:s13+$0x480] =	vst v1  }
.LBB2_5:
0x75: {  	s12 =	simm.s32 $0x0  }
0x76: {  	[tilespmem:s9], [sflag:$0x1] =	stream.linear.gather [hbm4b:s5+s12], $0xFA0, $0x38;
	[tilespmem:$0x2420] =	vst v63  }
0x77: {  	_ =	swait.ge [sflag:s8], $0xFA0  }
0x78: {  	[sflag:s8] =	ssyncset.done $0x0  }
0x79: {  	s13 =	simm.s32 $0x40;
	s12 =	simm.s32 $0x0;
	[sflag:s8] =	ssyncadd.s32 $0xFFFFF060  }
.LBB2_6:
0x7a: {  	p1 =	sne.s32 s13, $0x3E40;
	v2 =	vld [tilespmem:s12+$0x480];
	_ =	sdelay $0x2  }
.Ltmp5:
0x7b: {  	(pc) =	sbr.rel @p1 .LBB2_6-.Ltmp5, $3  }
0x7c: {  	_ = 	snop  }
0x7d: {  	v2 =	vadd.f32 $1.000000000e+00, v2;
	_ =	sdelay $0x1  }
0x7e: {  	[tilespmem:s12+$0x480] =	vst v2;
	s12 =	sshra.s32 s13, $0x2;
	s13 =	sadd.s32 $0x40, s13  }
.Ltmp6:
0x7f: {  	_ = 	snop;
	(pc) =	sbr.rel .LBB2_7-.Ltmp6, $1  }
0x80: {  	_ =	sdelay $0x3  }
.LBB2_9:
0x81: {  	_ =	sfence.sel $0x180000  }
0x82: {  	[bflag:$0x0] =	sbarrier.arrive $0xFFFF  }
0x83: {  	p0 =	sne.s32 s2, $0x0;
	_ =	strace $0x90000047  }
0x84: {  	s0 =	sadd.s32 @!p0 $0x100000, s0;
	[bflag:$0x2] =	sbarrier.arrive $0xFFFF  }
0x85: {  	[sflag:s0] =	ssyncadd.tile.s32 @!p0 $0x1;
	_ =	shalt  }
.Lfunc_end2:
_tile_overlayer_lowered:
.L_overlay_start_2:
0x86: {  	(tag) =	ssettag $0x2  }
0x87: {  	s0 =	rddreg [dreg:$0x0];
	s2 =	stileid.u32  }
0x88: {  	s1 =	rddreg [dreg:$0x1];
	p0 =	sne.s32 s2, $0x0  }
0x89: {  	s3 =	rddreg [dreg:$0x2];
	[bflag:$0x3] =	sbarrier.arrive $0xFFFF;
	s2 =	simm.s32 @!p0 $0x1C01  }
0x8a: {  	[timem:s3], [sflag:s2] =	dma.local @!p0 [hbm:s0], s1  }
0x8b: {  	s0 =	simm.s32 @!p0 $0x1  }
0x8c: {  	_ =	swait.ge @!p0 [sflag:s0], s1  }
0x8d: {  	s1 =	ssub.s32 @!p0 $0x0, s1;
	[sflag:s0] =	ssyncset.done @!p0 $0x0  }
0x8e: {  	[sflag:s0] =	ssyncadd.s32 @!p0 s1  }
0x8f: {  	[bflag:$0x3] =	sbarrier.arrive $0xFFFF  }
0x90: {  	_ =	shalt  }

</sc_bundles>
